<compile_context>
chip_gen: v7x
topology: tpu7x:2x2x1
jax: 0.10.2.dev20260603
libtpu: 0.0.44.dev20260713+nightly
codegen_flags: <defaults>
</compile_context>

<pallas_src>
import functools

import jax
import jax.numpy as jnp
from jax import lax
from jax.experimental import pallas as pl
from jax.experimental.pallas import tpu as pltpu
from jax.experimental.pallas import tpu_sc as plsc

_N_NODES = 10000
_N_EDGES = 320000
_D = 128
_DE = 16
_EPS = 1e-5

_CHUNK = 128
_N_WORKERS = 32
_N_CHUNKS = _N_EDGES // _CHUNK
_TRIPS = _N_CHUNKS // _N_WORKERS
_PAIRS = _TRIPS // 2
_CW = _CHUNK * _DE


def _nodeproj_body(h_ref, ws_ref, wd_ref, hs_ref, hd_ref):
    h = h_ref[...]
    hs_ref[...] = jnp.dot(h, ws_ref[...], preferred_element_type=jnp.float32)
    hd_ref[...] = jnp.dot(h, wd_ref[...], preferred_element_type=jnp.float32)


def _node_proj(h, w_s, w_d):
    return pl.pallas_call(
        _nodeproj_body,
        out_shape=(
            jax.ShapeDtypeStruct((_N_NODES, _DE), jnp.float32),
            jax.ShapeDtypeStruct((_N_NODES, _DE), jnp.float32),
        ),
    )(h, w_s, w_d)


def _ew_body(e_ref, wk_ref, b_ref, out_ref):
    out_ref[...] = (
        jnp.dot(e_ref[...], wk_ref[...], preferred_element_type=jnp.float32)
        + b_ref[...]
    )


def _edge_proj(e_resh, w_kron, b_tiled):
    rows = e_resh.shape[0]
    blk = 4000
    grid = rows // blk
    return pl.pallas_call(
        _ew_body,
        grid=(grid,),
        in_specs=[
            pl.BlockSpec((blk, _D), lambda i: (i, 0)),
            pl.BlockSpec((_D, _D), lambda i: (0, 0)),
            pl.BlockSpec((1, _D), lambda i: (0, 0)),
        ],
        out_specs=pl.BlockSpec((blk, _D), lambda i: (i, 0)),
        out_shape=jax.ShapeDtypeStruct((rows, _D), jnp.float32),
    )(e_resh, w_kron, b_tiled)


def _sc_body(hs_hbm, hd_hbm, ewf_hbm, ei_hbm, zeros_hbm,
             elin_hbm, stats_hbm, cnt_hbm,
             idx_s, idx_d, ewv, hsv, hdv, elv, onesv, statv, cnt_sh,
             sem_in, sem_g, sem_w, sem_sc):
    c = lax.axis_index("c")
    s = lax.axis_index("s")
    wid = s * 2 + c

    @pl.when(s == 0)
    def _init():
        pltpu.sync_copy(zeros_hbm, cnt_sh)

    for i in range(_CHUNK // 16):
        onesv[pl.ds(16 * i, 16)] = jnp.full((16,), 1.0, jnp.float32)
    plsc.subcore_barrier()

    def issue_in(chunk, b):
        base = chunk * _CHUNK
        pltpu.async_copy(ei_hbm.at[0, pl.ds(base, _CHUNK)], idx_s[b], sem_in[b])
        pltpu.async_copy(ei_hbm.at[1, pl.ds(base, _CHUNK)], idx_d[b], sem_in[b])
        pltpu.async_copy(ewf_hbm.at[pl.ds(chunk * _CW, _CW)], ewv[b], sem_in[b])

    def wait_in(b):
        pltpu.make_async_copy(ei_hbm.at[0, pl.ds(0, _CHUNK)], idx_s[b], sem_in[b]).wait()
        pltpu.make_async_copy(ei_hbm.at[1, pl.ds(0, _CHUNK)], idx_d[b], sem_in[b]).wait()
        pltpu.make_async_copy(ewf_hbm.at[pl.ds(0, _CW)], ewv[b], sem_in[b]).wait()

    def issue_gathers(b):
        pltpu.async_copy(hs_hbm.at[idx_s[b]], hsv[b], sem_g[b])
        pltpu.async_copy(hd_hbm.at[idx_d[b]], hdv[b], sem_g[b])

    def wait_gathers(b):
        pltpu.make_async_copy(hs_hbm.at[idx_s[b]], hsv[b], sem_g[b]).wait()
        pltpu.make_async_copy(hd_hbm.at[idx_d[b]], hdv[b], sem_g[b]).wait()

    def issue_scatter(b):
        pltpu.async_copy(onesv, cnt_sh.at[idx_d[b]], sem_sc[b], add=True)

    def wait_scatter(b):
        pltpu.make_async_copy(onesv, cnt_sh.at[idx_d[b]], sem_sc[b]).wait()

    def issue_wb(chunk, b):
        pltpu.async_copy(elv[b], elin_hbm.at[pl.ds(chunk * _CW, _CW)], sem_w[b])

    def wait_wb(b):
        pltpu.make_async_copy(elv[b], elin_hbm.at[pl.ds(0, _CW)], sem_w[b]).wait()

    def compute(b, carry):
        def rows(i, cc):
            s1, s2 = cc
            i0 = 2 * i
            v = hsv[b][i0] + hdv[b][i0] + ewv[b][pl.ds(i0 * _DE, _DE)]
            elv[b][pl.ds(i0 * _DE, _DE)] = v
            i1 = i0 + 1
            w = hsv[b][i1] + hdv[b][i1] + ewv[b][pl.ds(i1 * _DE, _DE)]
            elv[b][pl.ds(i1 * _DE, _DE)] = w
            return (s1 + v + w, s2 + v * v + w * w)

        return lax.fori_loop(0, _CHUNK // 2, rows, carry)

    def compute_masked(b, carry, mval):
        def row(i, cc):
            s1, s2 = cc
            v = hsv[b][i] + hdv[b][i] + ewv[b][pl.ds(i * _DE, _DE)]
            elv[b][pl.ds(i * _DE, _DE)] = v
            vm = v * mval
            return (s1 + vm, s2 + vm * v)

        return lax.fori_loop(0, _CHUNK, row, carry)

    issue_in(wid, 0)
    echunk = _TRIPS * _N_WORKERS + jnp.minimum(wid, 3)

    def pair(j, carry):
        t0 = 2 * j
        wait_in(0)
        issue_gathers(0)
        issue_scatter(0)

        @pl.when(j > 0)
        def _():
            wait_wb(1)
            wait_scatter(1)

        issue_in(wid + (t0 + 1) * _N_WORKERS, 1)
        wait_gathers(0)
        wait_in(1)
        issue_gathers(1)
        issue_scatter(1)

        @pl.when(j > 0)
        def _():
            wait_wb(0)

        carry = compute(0, carry)
        issue_wb(wid + t0 * _N_WORKERS, 0)
        wait_scatter(0)
        nxt = jnp.where(t0 + 2 < _TRIPS, wid + (t0 + 2) * _N_WORKERS, echunk)
        issue_in(nxt, 0)
        wait_gathers(1)
        carry = compute(1, carry)
        issue_wb(wid + (t0 + 1) * _N_WORKERS, 1)
        return carry

    z = jnp.zeros((16,), jnp.float32)
    ssum, ssq = lax.fori_loop(0, _PAIRS, pair, (z, z))

    wait_scatter(1)
    mval = jnp.where(wid < 4, 1.0, 0.0).astype(jnp.float32)
    for i in range(_CHUNK // 16):
        onesv[pl.ds(16 * i, 16)] = jax.lax.broadcast(mval, (16,))
    wait_in(0)
    issue_gathers(0)
    issue_scatter(0)
    wait_wb(0)
    wait_gathers(0)
    ssum, ssq = compute_masked(0, (ssum, ssq), mval)
    issue_wb(echunk, 0)
    wait_wb(0)
    wait_scatter(0)
    wait_wb(1)

    statv[pl.ds(0, 16)] = ssum
    statv[pl.ds(16, 16)] = ssq
    pltpu.sync_copy(statv, stats_hbm.at[wid])

    plsc.subcore_barrier()

    @pl.when(s == 0)
    def _flush():
        pltpu.sync_copy(cnt_sh, cnt_hbm.at[c])


def _sc_edge_kernel(hs, hd, ew_flat, edge_index, zeros):
    mesh = plsc.VectorSubcoreMesh(core_axis_name="c", subcore_axis_name="s")
    dbl = lambda ty: [ty, ty]
    f = functools.partial(
        pl.kernel,
        mesh=mesh,
        compiler_params=pltpu.CompilerParams(use_tc_tiling_on_sc=False,
                                            needs_layout_passes=False),
        out_type=(
            jax.ShapeDtypeStruct((_N_EDGES * _DE,), jnp.float32),
            jax.ShapeDtypeStruct((_N_WORKERS, 2 * _DE), jnp.float32),
            jax.ShapeDtypeStruct((2, _N_NODES), jnp.float32),
        ),
        scratch_types=[
            dbl(pltpu.VMEM((_CHUNK,), jnp.int32)),
            dbl(pltpu.VMEM((_CHUNK,), jnp.int32)),
            dbl(pltpu.VMEM((_CW,), jnp.float32)),
            dbl(pltpu.VMEM((_CHUNK, _DE), jnp.float32)),
            dbl(pltpu.VMEM((_CHUNK, _DE), jnp.float32)),
            dbl(pltpu.VMEM((_CW,), jnp.float32)),
            pltpu.VMEM((_CHUNK,), jnp.float32),
            pltpu.VMEM((2 * _DE,), jnp.float32),
            pltpu.VMEM_SHARED((_N_NODES,), jnp.float32),
            dbl(pltpu.SemaphoreType.DMA),
            dbl(pltpu.SemaphoreType.DMA),
            dbl(pltpu.SemaphoreType.DMA),
            dbl(pltpu.SemaphoreType.DMA),
        ],
    )(_sc_body)
    return f(hs, hd, ew_flat, edge_index, zeros)


def _e2_body(stats_ref, g_ref, bt_ref, elin_ref, e_ref, out_ref):
    st = stats_ref[...]
    ssum = jnp.sum(st, axis=0, keepdims=True)
    inv_n = 1.0 / _N_EDGES
    mu = ssum[:, :_DE] * inv_n
    msq = ssum[:, _DE:] * inv_n
    rstd = lax.rsqrt(msq - mu * mu + _EPS)
    mu8 = jnp.concatenate([mu] * 8, axis=1)
    rstd8 = jnp.concatenate([rstd] * 8, axis=1)
    x = (elin_ref[...] - mu8) * rstd8 * g_ref[...] + bt_ref[...]
    out_ref[...] = e_ref[...] + x * jax.nn.sigmoid(x)


def _e2_apply(stats, g_tiled, bt_tiled, elin_resh, e_resh):
    rows = e_resh.shape[0]
    blk = 4000
    grid = rows // blk
    return pl.pallas_call(
        _e2_body,
        grid=(grid,),
        in_specs=[
            pl.BlockSpec((_N_WORKERS, 2 * _DE), lambda i: (0, 0)),
            pl.BlockSpec((1, _D), lambda i: (0, 0)),
            pl.BlockSpec((1, _D), lambda i: (0, 0)),
            pl.BlockSpec((blk, _D), lambda i: (i, 0)),
            pl.BlockSpec((blk, _D), lambda i: (i, 0)),
        ],
        out_specs=pl.BlockSpec((blk, _D), lambda i: (i, 0)),
        out_shape=jax.ShapeDtypeStruct((rows, _D), jnp.float32),
    )(stats, g_tiled, bt_tiled, elin_resh, e_resh)


def _node_body(h_ref, wgd_ref, bgd_ref, wgs_ref, bgs_ref, c0_ref, c1_ref,
               gg_ref, btg_ref, wl_ref, bl_ref, out_ref):
    h = h_ref[...]
    mask = ((c0_ref[...] + c1_ref[...]) > 0.0).astype(jnp.float32)
    gl = jnp.dot(h, wgd_ref[...], preferred_element_type=jnp.float32) + bgd_ref[...]
    pre = (jnp.dot(h, wgs_ref[...], preferred_element_type=jnp.float32)
           + bgs_ref[...] + gl * mask)
    mu = jnp.mean(pre, axis=0, keepdims=True)
    d = pre - mu
    var = jnp.mean(d * d, axis=0, keepdims=True)
    xn = d * lax.rsqrt(var + _EPS) * gg_ref[...] + btg_ref[...]
    h2 = xn * jax.nn.sigmoid(xn) + h
    out_ref[...] = (jnp.dot(h2, wl_ref[...], preferred_element_type=jnp.float32)
                    + bl_ref[...])


def _node_update(h, w_gdst, b_gdst, w_gsrc, b_gsrc, c0, c1, g_gate, bt_gate,
                 w_lin, b_lin):
    return pl.pallas_call(
        _node_body,
        out_shape=jax.ShapeDtypeStruct((_N_NODES, _D), jnp.float32),
    )(h, w_gdst, b_gdst, w_gsrc, b_gsrc, c0, c1, g_gate, bt_gate, w_lin, b_lin)


def kernel(h, e, edge_index, W_upd, b_upd, g_upd, bt_upd, W_act, b_act,
           W_gdst, b_gdst, W_gsrc, b_gsrc, g_gate, bt_gate, W_lin, b_lin):
    ei = edge_index.astype(jnp.int32)

    w_s = W_upd[:_D]
    w_d = W_upd[_D:2 * _D]
    w_e = W_upd[2 * _D:]
    w_kron = jnp.kron(jnp.eye(8, dtype=jnp.float32), w_e)
    b_tiled = jnp.tile(b_upd.reshape(1, _DE), (1, 8))
    g_tiled = jnp.tile(g_upd.reshape(1, _DE), (1, 8))
    btu_tiled = jnp.tile(bt_upd.reshape(1, _DE), (1, 8))

    e_resh = e.reshape(_N_EDGES * _DE // _D, _D)

    hs, hd = _node_proj(h, w_s, w_d)
    ew_resh = _edge_proj(e_resh, w_kron, b_tiled)
    ew_flat = ew_resh.reshape(_N_EDGES * _DE)

    zeros = jnp.zeros((_N_NODES,), jnp.float32)
    e_lin, stats, cnt = _sc_edge_kernel(hs, hd, ew_flat, ei, zeros)

    elin_resh = e_lin.reshape(_N_EDGES * _DE // _D, _D)
    e2 = _e2_apply(stats, g_tiled, btu_tiled, elin_resh, e_resh)
    e2 = e2.reshape(_N_EDGES, _DE)

    c0 = cnt[0].reshape(_N_NODES, 1)
    c1 = cnt[1].reshape(_N_NODES, 1)
    h2 = _node_update(h, W_gdst, b_gdst.reshape(1, _D),
                      W_gsrc, b_gsrc.reshape(1, _D), c0, c1,
                      g_gate.reshape(1, _D), bt_gate.reshape(1, _D),
                      W_lin, b_lin.reshape(1, _D))
    return (h2, e2)

# --- scband reference (transcript-rebuilt; emitter-appended) ---
"""Pipeline reference for scband-edge-gated-gcn-50027779064050 (READ-ONLY COPY).

The authoritative reference and input builder live on the scoring server;
editing this copy changes nothing except your own understanding.
"""

import jax, jax.numpy as jnp
import numpy as np

N_NODES = 10000
N_EDGES = 320000
D_NODE = 128
D_EDGE = 16


def _silu(x):
    return x * jax.nn.sigmoid(x)


def _batchnorm(x, gamma, beta, eps=1e-5):
    mu = jnp.mean(x, axis=0)
    var = jnp.var(x, axis=0)
    return (x - mu) / jnp.sqrt(var + eps) * gamma + beta


def setup_inputs(seed: int = 0):
    key = jax.random.key(seed)
    ks = jax.random.split(key, 8)
    h = jax.random.normal(ks[0], (N_NODES, D_NODE), dtype=jnp.float32)
    e = jax.random.normal(ks[1], (N_EDGES, D_EDGE), dtype=jnp.float32)
    edge_index = jax.random.randint(ks[2], (2, N_EDGES), 0, N_NODES).astype(jnp.int64)
    W_upd = jax.random.normal(ks[3], (2 * D_NODE + D_EDGE, D_EDGE), dtype=jnp.float32) * 0.05
    b_upd = jnp.zeros((D_EDGE,), jnp.float32)
    g_upd = jnp.ones((D_EDGE,), jnp.float32)
    bt_upd = jnp.zeros((D_EDGE,), jnp.float32)
    W_act = jax.random.normal(ks[4], (D_EDGE, D_NODE), dtype=jnp.float32) * 0.05
    b_act = jnp.zeros((D_NODE,), jnp.float32)
    W_gdst = jax.random.normal(ks[5], (D_NODE, D_NODE), dtype=jnp.float32) * 0.05
    b_gdst = jnp.zeros((D_NODE,), jnp.float32)
    W_gsrc = jax.random.normal(ks[6], (D_NODE, D_NODE), dtype=jnp.float32) * 0.05
    b_gsrc = jnp.zeros((D_NODE,), jnp.float32)
    g_gate = jnp.ones((D_NODE,), jnp.float32)
    bt_gate = jnp.zeros((D_NODE,), jnp.float32)
    W_lin = jax.random.normal(ks[7], (D_NODE, D_NODE), dtype=jnp.float32) * 0.05
    b_lin = jnp.zeros((D_NODE,), jnp.float32)
    return {"h": h, "e": e, "edge_index": edge_index,
            "W_upd": W_upd, "b_upd": b_upd, "g_upd": g_upd, "bt_upd": bt_upd,
            "W_act": W_act, "b_act": b_act,
            "W_gdst": W_gdst, "b_gdst": b_gdst,
            "W_gsrc": W_gsrc, "b_gsrc": b_gsrc,
            "g_gate": g_gate, "bt_gate": bt_gate,
            "W_lin": W_lin, "b_lin": b_lin}


def reference(h, e, edge_index, W_upd, b_upd, g_upd, bt_upd, W_act, b_act,
              W_gdst, b_gdst, W_gsrc, b_gsrc, g_gate, bt_gate, W_lin, b_lin):
    src = edge_index[0]
    dst = edge_index[1]
    # update_func: e2 = e + SiLU(BN(Linear([h_src, h_dst, e])))  (in_edge == out_edge -> direct residual)
    e_cat = jnp.concatenate([h[src], h[dst], e], axis=1)
    e_lin = e_cat @ W_upd + b_upd
    e2 = e + _silu(_batchnorm(e_lin, g_upd, bt_upd))
    # a = edge_softmax(activation_linear(e2)) grouped by destination node
    a = e2 @ W_act + b_act
    m = jax.lax.stop_gradient(jax.ops.segment_max(a, dst, num_segments=N_NODES))
    ex = jnp.exp(a - m[dst])
    s = jax.ops.segment_sum(ex, dst, num_segments=N_NODES)
    alpha = ex / s[dst]
    # gating message: mail = alpha * gating_dst_linear(h_dst); aggregated by sum at dst
    mail = alpha * ((h @ W_gdst + b_gdst)[dst])
    agg = jax.ops.segment_sum(mail, dst, num_segments=N_NODES)
    h2 = (h @ W_gsrc + b_gsrc) + agg
    h2 = _silu(_batchnorm(h2, g_gate, bt_gate))
    h2 = h2 + h
    h2 = h2 @ W_lin + b_lin
    return (h2, e2)

if __name__ == "__main__":
    import jax
    _d = setup_inputs()
    print(jax.jit(kernel)(*tuple(_d.values())))

</pallas_src>

<mosaic_0001>
#map = affine_map<(d0, d1) -> (0, 0)>
#map1 = affine_map<(d0, d1) -> (0)>
module attributes {stable_mosaic.version = 14 : i64} {
  func.func @_sc_body(%arg0: i32, %arg1: i32, %arg2: memref<10000x16xf32, #tpu.memory_space<hbm>>, %arg3: memref<10000x16xf32, #tpu.memory_space<hbm>>, %arg4: memref<5120000xf32, #tpu.memory_space<hbm>>, %arg5: memref<2x320000xi32, #tpu.memory_space<hbm>>, %arg6: memref<10000xf32, #tpu.memory_space<hbm>>, %arg7: memref<5120000xf32, #tpu.memory_space<hbm>>, %arg8: memref<32x32xf32, #tpu.memory_space<hbm>>, %arg9: memref<2x10000xf32, #tpu.memory_space<hbm>>, %arg10: memref<128xi32, #tpu.memory_space<vmem>>, %arg11: memref<128xi32, #tpu.memory_space<vmem>>, %arg12: memref<128xi32, #tpu.memory_space<vmem>>, %arg13: memref<128xi32, #tpu.memory_space<vmem>>, %arg14: memref<2048xf32, #tpu.memory_space<vmem>>, %arg15: memref<2048xf32, #tpu.memory_space<vmem>>, %arg16: memref<128x16xf32, #tpu.memory_space<vmem>>, %arg17: memref<128x16xf32, #tpu.memory_space<vmem>>, %arg18: memref<128x16xf32, #tpu.memory_space<vmem>>, %arg19: memref<128x16xf32, #tpu.memory_space<vmem>>, %arg20: memref<2048xf32, #tpu.memory_space<vmem>>, %arg21: memref<2048xf32, #tpu.memory_space<vmem>>, %arg22: memref<128xf32, #tpu.memory_space<vmem>>, %arg23: memref<32xf32, #tpu.memory_space<vmem>>, %arg24: memref<10000xf32, #tpu.memory_space<vmem_shared>>, %arg25: memref<!tpu.dma_semaphore, #tpu.memory_space<semaphore_mem>>, %arg26: memref<!tpu.dma_semaphore, #tpu.memory_space<semaphore_mem>>, %arg27: memref<!tpu.dma_semaphore, #tpu.memory_space<semaphore_mem>>, %arg28: memref<!tpu.dma_semaphore, #tpu.memory_space<semaphore_mem>>, %arg29: memref<!tpu.dma_semaphore, #tpu.memory_space<semaphore_mem>>, %arg30: memref<!tpu.dma_semaphore, #tpu.memory_space<semaphore_mem>>, %arg31: memref<!tpu.dma_semaphore, #tpu.memory_space<semaphore_mem>>, %arg32: memref<!tpu.dma_semaphore, #tpu.memory_space<semaphore_mem>>) attributes {dimension_semantics = [#tpu.dimension_semantics<core_parallel>, #tpu.dimension_semantics<subcore_parallel>], iteration_bounds = array<i64: 2, 16>, scalar_prefetch = 0 : i64, scratch_operands = 23 : i64, tpu.core_type = #tpu.core_type<sc_vector_subcore>, window_params = [{transform_indices = #map}, {transform_indices = #map}, {transform_indices = #map1}, {transform_indices = #map}, {transform_indices = #map1}, {transform_indices = #map1}, {transform_indices = #map}, {transform_indices = #map}]} {
    %mul3A = arith.constant 2 : i32
    %mul3A_0 = arith.muli %arg1, %mul3A : i32
    %add3A = arith.addi %mul3A_0, %arg0 : i32
    %eq3A = arith.constant 0 : i32
    %eq3A_1 = arith.cmpi eq, %arg1, %eq3A : i32
    %convert_element_type3A = arith.extui %eq3A_1 : i1 to i32
    %cond3A = arith.constant 0 : i32
    %cond3A_2 = arith.cmpi ne, %convert_element_type3A, %cond3A : i32
    scf.if %cond3A_2 {
      "tpu.region"() ({
        %run_scoped3A = tpu.sem_alloc : memref<!tpu.dma_semaphore, #tpu.memory_space<semaphore_mem>>
        tpu.enqueue_dma source(%arg6 : memref<10000xf32, #tpu.memory_space<hbm>>) target(%arg24 : memref<10000xf32, #tpu.memory_space<vmem_shared>>) target_semaphore(%run_scoped3A : memref<!tpu.dma_semaphore, #tpu.memory_space<semaphore_mem>>)
        tpu.wait_dma2 semaphore(%run_scoped3A : memref<!tpu.dma_semaphore, #tpu.memory_space<semaphore_mem>>) src(%arg6 : memref<10000xf32, #tpu.memory_space<hbm>>) dst(%arg24 : memref<10000xf32, #tpu.memory_space<vmem_shared>>)
        tpu.yield
      }) : () -> ()
    } else {
    }
    %broadcast_in_dim3A = arith.constant 1.000000e+00 : f32
    %broadcast_in_dim3A_3 = vector.broadcast %broadcast_in_dim3A : f32 to vector<16xf32>
    %swap3A = arith.constant 0 : index
    %swap3A_4 = tpu.vector_load %arg22[%swap3A] {strides = array<i32>} : memref<128xf32, #tpu.memory_space<vmem>>, vector<16xf32>,
    tpu.vector_store %arg22[%swap3A], %broadcast_in_dim3A_3 {strides = array<i32>} : memref<128xf32, #tpu.memory_space<vmem>>, vector<16xf32>,
    %broadcast_in_dim3A_5 = arith.constant 1.000000e+00 : f32
    %broadcast_in_dim3A_6 = vector.broadcast %broadcast_in_dim3A_5 : f32 to vector<16xf32>
    %swap3A_7 = arith.constant 16 : index
    %swap3A_8 = tpu.vector_load %arg22[%swap3A_7] {strides = array<i32>} : memref<128xf32, #tpu.memory_space<vmem>>, vector<16xf32>,
    tpu.vector_store %arg22[%swap3A_7], %broadcast_in_dim3A_6 {strides = array<i32>} : memref<128xf32, #tpu.memory_space<vmem>>, vector<16xf32>,
    %broadcast_in_dim3A_9 = arith.constant 1.000000e+00 : f32
    %broadcast_in_dim3A_10 = vector.broadcast %broadcast_in_dim3A_9 : f32 to vector<16xf32>
    %swap3A_11 = arith.constant 32 : index
    %swap3A_12 = tpu.vector_load %arg22[%swap3A_11] {strides = array<i32>} : memref<128xf32, #tpu.memory_space<vmem>>, vector<16xf32>,
    tpu.vector_store %arg22[%swap3A_11], %broadcast_in_dim3A_10 {strides = array<i32>} : memref<128xf32, #tpu.memory_space<vmem>>, vector<16xf32>,
    %broadcast_in_dim3A_13 = arith.constant 1.000000e+00 : f32
    %broadcast_in_dim3A_14 = vector.broadcast %broadcast_in_dim3A_13 : f32 to vector<16xf32>
    %swap3A_15 = arith.constant 48 : index
    %swap3A_16 = tpu.vector_load %arg22[%swap3A_15] {strides = array<i32>} : memref<128xf32, #tpu.memory_space<vmem>>, vector<16xf32>,
    tpu.vector_store %arg22[%swap3A_15], %broadcast_in_dim3A_14 {strides = array<i32>} : memref<128xf32, #tpu.memory_space<vmem>>, vector<16xf32>,
    %broadcast_in_dim3A_17 = arith.constant 1.000000e+00 : f32
    %broadcast_in_dim3A_18 = vector.broadcast %broadcast_in_dim3A_17 : f32 to vector<16xf32>
    %swap3A_19 = arith.constant 64 : index
    %swap3A_20 = tpu.vector_load %arg22[%swap3A_19] {strides = array<i32>} : memref<128xf32, #tpu.memory_space<vmem>>, vector<16xf32>,
    tpu.vector_store %arg22[%swap3A_19], %broadcast_in_dim3A_18 {strides = array<i32>} : memref<128xf32, #tpu.memory_space<vmem>>, vector<16xf32>,
    %broadcast_in_dim3A_21 = arith.constant 1.000000e+00 : f32
    %broadcast_in_dim3A_22 = vector.broadcast %broadcast_in_dim3A_21 : f32 to vector<16xf32>
    %swap3A_23 = arith.constant 80 : index
    %swap3A_24 = tpu.vector_load %arg22[%swap3A_23] {strides = array<i32>} : memref<128xf32, #tpu.memory_space<vmem>>, vector<16xf32>,
    tpu.vector_store %arg22[%swap3A_23], %broadcast_in_dim3A_22 {strides = array<i32>} : memref<128xf32, #tpu.memory_space<vmem>>, vector<16xf32>,
    %broadcast_in_dim3A_25 = arith.constant 1.000000e+00 : f32
    %broadcast_in_dim3A_26 = vector.broadcast %broadcast_in_dim3A_25 : f32 to vector<16xf32>
    %swap3A_27 = arith.constant 96 : index
    %swap3A_28 = tpu.vector_load %arg22[%swap3A_27] {strides = array<i32>} : memref<128xf32, #tpu.memory_space<vmem>>, vector<16xf32>,
    tpu.vector_store %arg22[%swap3A_27], %broadcast_in_dim3A_26 {strides = array<i32>} : memref<128xf32, #tpu.memory_space<vmem>>, vector<16xf32>,
    %broadcast_in_dim3A_29 = arith.constant 1.000000e+00 : f32
    %broadcast_in_dim3A_30 = vector.broadcast %broadcast_in_dim3A_29 : f32 to vector<16xf32>
    %swap3A_31 = arith.constant 112 : index
    %swap3A_32 = tpu.vector_load %arg22[%swap3A_31] {strides = array<i32>} : memref<128xf32, #tpu.memory_space<vmem>>, vector<16xf32>,
    tpu.vector_store %arg22[%swap3A_31], %broadcast_in_dim3A_30 {strides = array<i32>} : memref<128xf32, #tpu.memory_space<vmem>>, vector<16xf32>,
    %barrier3A = arith.constant 0 : index
    tpu.barrier barrier_id(%barrier3A)
    %mul3A_33 = arith.constant 128 : i32
    %mul3A_34 = arith.muli %add3A, %mul3A_33 : i32
    %dma_start3A = arith.constant 0 : i32
    %dma_start3A_35 = tpu.memref_slice %arg5[%dma_start3A, %mul3A_34] : memref<2x320000xi32, #tpu.memory_space<hbm>> -> memref<1x128xi32, #tpu.memory_space<hbm>>
    %dma_start3A_36 = tpu.memref_squeeze %dma_start3A_35 : memref<1x128xi32, #tpu.memory_space<hbm>> -> memref<128xi32, #tpu.memory_space<hbm>>
    %dma_start3A_37 = tpu.memref_slice %arg5[%dma_start3A, %mul3A_34] : memref<2x320000xi32, #tpu.memory_space<hbm>> -> memref<1x128xi32, #tpu.memory_space<hbm>>
    %dma_start3A_38 = tpu.memref_squeeze %dma_start3A_37 : memref<1x128xi32, #tpu.memory_space<hbm>> -> memref<128xi32, #tpu.memory_space<hbm>>
    tpu.enqueue_dma source(%dma_start3A_38 : memref<128xi32, #tpu.memory_space<hbm>>) target(%arg10 : memref<128xi32, #tpu.memory_space<vmem>>) target_semaphore(%arg25 : memref<!tpu.dma_semaphore, #tpu.memory_space<semaphore_mem>>)
    %dma_start3A_39 = arith.constant 1 : i32
    %dma_start3A_40 = tpu.memref_slice %arg5[%dma_start3A_39, %mul3A_34] : memref<2x320000xi32, #tpu.memory_space<hbm>> -> memref<1x128xi32, #tpu.memory_space<hbm>>
    %dma_start3A_41 = tpu.memref_squeeze %dma_start3A_40 : memref<1x128xi32, #tpu.memory_space<hbm>> -> memref<128xi32, #tpu.memory_space<hbm>>
    %dma_start3A_42 = tpu.memref_slice %arg5[%dma_start3A_39, %mul3A_34] : memref<2x320000xi32, #tpu.memory_space<hbm>> -> memref<1x128xi32, #tpu.memory_space<hbm>>
    %dma_start3A_43 = tpu.memref_squeeze %dma_start3A_42 : memref<1x128xi32, #tpu.memory_space<hbm>> -> memref<128xi32, #tpu.memory_space<hbm>>
    tpu.enqueue_dma source(%dma_start3A_43 : memref<128xi32, #tpu.memory_space<hbm>>) target(%arg12 : memref<128xi32, #tpu.memory_space<vmem>>) target_semaphore(%arg25 : memref<!tpu.dma_semaphore, #tpu.memory_space<semaphore_mem>>)
    %mul3A_44 = arith.constant 2048 : i32
    %mul3A_45 = arith.muli %add3A, %mul3A_44 : i32
    %dma_start3A_46 = tpu.memref_slice %arg4[%mul3A_45] : memref<5120000xf32, #tpu.memory_space<hbm>> -> memref<2048xf32, #tpu.memory_space<hbm>>
    %dma_start3A_47 = tpu.memref_slice %arg4[%mul3A_45] : memref<5120000xf32, #tpu.memory_space<hbm>> -> memref<2048xf32, #tpu.memory_space<hbm>>
    tpu.enqueue_dma source(%dma_start3A_47 : memref<2048xf32, #tpu.memory_space<hbm>>) target(%arg14 : memref<2048xf32, #tpu.memory_space<vmem>>) target_semaphore(%arg25 : memref<!tpu.dma_semaphore, #tpu.memory_space<semaphore_mem>>)
    %min3A = arith.constant 3 : i32
    %min3A_48 = arith.minsi %add3A, %min3A : i32
    %add3A_49 = arith.constant 2496 : i32
    %add3A_50 = arith.addi %add3A_49, %min3A_48 : i32
    %broadcast_in_dim3A_51 = arith.constant 0.000000e+00 : f32
    %broadcast_in_dim3A_52 = vector.broadcast %broadcast_in_dim3A_51 : f32 to vector<16xf32>
    %scan3A = arith.constant 0 : i32
    %scan3A_53 = arith.constant 39 : i32
    %scan3A_54 = arith.addi %scan3A, %scan3A_53 : i32
    %scan3A_55 = arith.constant 1 : i32
    %scan3A_56:2 = scf.for %scan3A_151 = %scan3A to %scan3A_54 step %scan3A_55 iter_args(%scan3A_152 = %broadcast_in_dim3A_52, %scan3A_153 = %broadcast_in_dim3A_52) -> (vector<16xf32>, vector<16xf32>)  : i32 {
      %mul3A_154 = arith.constant 2 : i32
      %mul3A_155 = arith.muli %mul3A_154, %scan3A_151 : i32
      %dma_wait3A_156 = arith.constant 0 : i32
      %dma_wait3A_157 = arith.constant 0 : i32
      %dma_wait3A_158 = tpu.memref_slice %arg5[%dma_wait3A_156, %dma_wait3A_157] : memref<2x320000xi32, #tpu.memory_space<hbm>> -> memref<1x128xi32, #tpu.memory_space<hbm>>
      %dma_wait3A_159 = tpu.memref_squeeze %dma_wait3A_158 : memref<1x128xi32, #tpu.memory_space<hbm>> -> memref<128xi32, #tpu.memory_space<hbm>>
      %dma_wait3A_160 = arith.constant 0 : i32
      %dma_wait3A_161 = tpu.memref_slice %arg5[%dma_wait3A_156, %dma_wait3A_160] : memref<2x320000xi32, #tpu.memory_space<hbm>> -> memref<1x128xi32, #tpu.memory_space<hbm>>
      %dma_wait3A_162 = tpu.memref_squeeze %dma_wait3A_161 : memref<1x128xi32, #tpu.memory_space<hbm>> -> memref<128xi32, #tpu.memory_space<hbm>>
      tpu.wait_dma2 semaphore(%arg25 : memref<!tpu.dma_semaphore, #tpu.memory_space<semaphore_mem>>) src(%dma_wait3A_162 : memref<128xi32, #tpu.memory_space<hbm>>) dst(%arg10 : memref<128xi32, #tpu.memory_space<vmem>>)
      %dma_wait3A_163 = arith.constant 1 : i32
      %dma_wait3A_164 = arith.constant 0 : i32
      %dma_wait3A_165 = tpu.memref_slice %arg5[%dma_wait3A_163, %dma_wait3A_164] : memref<2x320000xi32, #tpu.memory_space<hbm>> -> memref<1x128xi32, #tpu.memory_space<hbm>>
      %dma_wait3A_166 = tpu.memref_squeeze %dma_wait3A_165 : memref<1x128xi32, #tpu.memory_space<hbm>> -> memref<128xi32, #tpu.memory_space<hbm>>
      %dma_wait3A_167 = arith.constant 0 : i32
      %dma_wait3A_168 = tpu.memref_slice %arg5[%dma_wait3A_163, %dma_wait3A_167] : memref<2x320000xi32, #tpu.memory_space<hbm>> -> memref<1x128xi32, #tpu.memory_space<hbm>>
      %dma_wait3A_169 = tpu.memref_squeeze %dma_wait3A_168 : memref<1x128xi32, #tpu.memory_space<hbm>> -> memref<128xi32, #tpu.memory_space<hbm>>
      tpu.wait_dma2 semaphore(%arg25 : memref<!tpu.dma_semaphore, #tpu.memory_space<semaphore_mem>>) src(%dma_wait3A_169 : memref<128xi32, #tpu.memory_space<hbm>>) dst(%arg12 : memref<128xi32, #tpu.memory_space<vmem>>)
      %dma_wait3A_170 = arith.constant 0 : i32
      %dma_wait3A_171 = tpu.memref_slice %arg4[%dma_wait3A_170] : memref<5120000xf32, #tpu.memory_space<hbm>> -> memref<2048xf32, #tpu.memory_space<hbm>>
      %dma_wait3A_172 = arith.constant 0 : i32
      %dma_wait3A_173 = tpu.memref_slice %arg4[%dma_wait3A_172] : memref<5120000xf32, #tpu.memory_space<hbm>> -> memref<2048xf32, #tpu.memory_space<hbm>>
      tpu.wait_dma2 semaphore(%arg25 : memref<!tpu.dma_semaphore, #tpu.memory_space<semaphore_mem>>) src(%dma_wait3A_173 : memref<2048xf32, #tpu.memory_space<hbm>>) dst(%arg14 : memref<2048xf32, #tpu.memory_space<vmem>>)
      %dma_start3A_174 = arith.constant 0 : i32
      %dma_start3A_175 = arith.constant 0 : i32
      %dma_start3A_176 = tpu.memref_slice %arg2[%dma_start3A_174, %dma_start3A_175] : memref<10000x16xf32, #tpu.memory_space<hbm>> -> memref<10000x16xf32, #tpu.memory_space<hbm>>
      tpu.enqueue_indirect_dma source(%dma_start3A_176 : memref<10000x16xf32, #tpu.memory_space<hbm>>) target(%arg16 : memref<128x16xf32, #tpu.memory_space<vmem>>) offsets(%arg10 : memref<128xi32, #tpu.memory_space<vmem>>) semaphore(%arg27 : memref<!tpu.dma_semaphore, #tpu.memory_space<semaphore_mem>>)
      %dma_start3A_177 = arith.constant 0 : i32
      %dma_start3A_178 = arith.constant 0 : i32
      %dma_start3A_179 = tpu.memref_slice %arg3[%dma_start3A_177, %dma_start3A_178] : memref<10000x16xf32, #tpu.memory_space<hbm>> -> memref<10000x16xf32, #tpu.memory_space<hbm>>
      tpu.enqueue_indirect_dma source(%dma_start3A_179 : memref<10000x16xf32, #tpu.memory_space<hbm>>) target(%arg18 : memref<128x16xf32, #tpu.memory_space<vmem>>) offsets(%arg12 : memref<128xi32, #tpu.memory_space<vmem>>) semaphore(%arg27 : memref<!tpu.dma_semaphore, #tpu.memory_space<semaphore_mem>>)
      %dma_start3A_180 = arith.constant 0 : i32
      %dma_start3A_181 = tpu.memref_slice %arg24[%dma_start3A_180] : memref<10000xf32, #tpu.memory_space<vmem_shared>> -> memref<10000xf32, #tpu.memory_space<vmem_shared>>
      tpu.enqueue_indirect_dma source(%arg22 : memref<128xf32, #tpu.memory_space<vmem>>) target(%dma_start3A_181 : memref<10000xf32, #tpu.memory_space<vmem_shared>>) offsets(%arg12 : memref<128xi32, #tpu.memory_space<vmem>>) semaphore(%arg31 : memref<!tpu.dma_semaphore, #tpu.memory_space<semaphore_mem>>) {add = true}
      %gt3A = arith.constant 0 : i32
      %gt3A_182 = arith.cmpi sgt, %scan3A_151, %gt3A : i32
      %convert_element_type3A_183 = arith.extui %gt3A_182 : i1 to i32
      %cond3A_184 = arith.constant 0 : i32
      %cond3A_185 = arith.cmpi ne, %convert_element_type3A_183, %cond3A_184 : i32
      scf.if %cond3A_185 {
        %dma_wait3A_306 = arith.constant 0 : i32
        %dma_wait3A_307 = tpu.memref_slice %arg7[%dma_wait3A_306] : memref<5120000xf32, #tpu.memory_space<hbm>> -> memref<2048xf32, #tpu.memory_space<hbm>>
        %dma_wait3A_308 = arith.constant 0 : i32
        %dma_wait3A_309 = tpu.memref_slice %arg7[%dma_wait3A_308] : memref<5120000xf32, #tpu.memory_space<hbm>> -> memref<2048xf32, #tpu.memory_space<hbm>>
        tpu.wait_dma2 semaphore(%arg30 : memref<!tpu.dma_semaphore, #tpu.memory_space<semaphore_mem>>) src(%arg21 : memref<2048xf32, #tpu.memory_space<vmem>>) dst(%dma_wait3A_309 : memref<2048xf32, #tpu.memory_space<hbm>>)
        %dma_wait3A_310 = arith.constant 0 : i32
        %dma_wait3A_311 = tpu.memref_slice %arg24[%dma_wait3A_310] : memref<10000xf32, #tpu.memory_space<vmem_shared>> -> memref<10000xf32, #tpu.memory_space<vmem_shared>>
        tpu.wait_indirect_dma semaphore(%arg32 : memref<!tpu.dma_semaphore, #tpu.memory_space<semaphore_mem>>) src(%arg22 : memref<128xf32, #tpu.memory_space<vmem>>) dst(%dma_wait3A_311 : memref<10000xf32, #tpu.memory_space<vmem_shared>>)
      } else {
      }
      %add3A_186 = arith.constant 1 : i32
      %add3A_187 = arith.addi %mul3A_155, %add3A_186 : i32
      %mul3A_188 = arith.constant 32 : i32
      %mul3A_189 = arith.muli %add3A_187, %mul3A_188 : i32
      %add3A_190 = arith.addi %add3A, %mul3A_189 : i32
      %mul3A_191 = arith.constant 128 : i32
      %mul3A_192 = arith.muli %add3A_190, %mul3A_191 : i32
      %dma_start3A_193 = arith.constant 0 : i32
      %dma_start3A_194 = tpu.memref_slice %arg5[%dma_start3A_193, %mul3A_192] : memref<2x320000xi32, #tpu.memory_space<hbm>> -> memref<1x128xi32, #tpu.memory_space<hbm>>
      %dma_start3A_195 = tpu.memref_squeeze %dma_start3A_194 : memref<1x128xi32, #tpu.memory_space<hbm>> -> memref<128xi32, #tpu.memory_space<hbm>>
      %dma_start3A_196 = tpu.memref_slice %arg5[%dma_start3A_193, %mul3A_192] : memref<2x320000xi32, #tpu.memory_space<hbm>> -> memref<1x128xi32, #tpu.memory_space<hbm>>
      %dma_start3A_197 = tpu.memref_squeeze %dma_start3A_196 : memref<1x128xi32, #tpu.memory_space<hbm>> -> memref<128xi32, #tpu.memory_space<hbm>>
      tpu.enqueue_dma source(%dma_start3A_197 : memref<128xi32, #tpu.memory_space<hbm>>) target(%arg11 : memref<128xi32, #tpu.memory_space<vmem>>) target_semaphore(%arg26 : memref<!tpu.dma_semaphore, #tpu.memory_space<semaphore_mem>>)
      %dma_start3A_198 = arith.constant 1 : i32
      %dma_start3A_199 = tpu.memref_slice %arg5[%dma_start3A_198, %mul3A_192] : memref<2x320000xi32, #tpu.memory_space<hbm>> -> memref<1x128xi32, #tpu.memory_space<hbm>>
      %dma_start3A_200 = tpu.memref_squeeze %dma_start3A_199 : memref<1x128xi32, #tpu.memory_space<hbm>> -> memref<128xi32, #tpu.memory_space<hbm>>
      %dma_start3A_201 = tpu.memref_slice %arg5[%dma_start3A_198, %mul3A_192] : memref<2x320000xi32, #tpu.memory_space<hbm>> -> memref<1x128xi32, #tpu.memory_space<hbm>>
      %dma_start3A_202 = tpu.memref_squeeze %dma_start3A_201 : memref<1x128xi32, #tpu.memory_space<hbm>> -> memref<128xi32, #tpu.memory_space<hbm>>
      tpu.enqueue_dma source(%dma_start3A_202 : memref<128xi32, #tpu.memory_space<hbm>>) target(%arg13 : memref<128xi32, #tpu.memory_space<vmem>>) target_semaphore(%arg26 : memref<!tpu.dma_semaphore, #tpu.memory_space<semaphore_mem>>)
      %mul3A_203 = arith.constant 2048 : i32
      %mul3A_204 = arith.muli %add3A_190, %mul3A_203 : i32
      %dma_start3A_205 = tpu.memref_slice %arg4[%mul3A_204] : memref<5120000xf32, #tpu.memory_space<hbm>> -> memref<2048xf32, #tpu.memory_space<hbm>>
      %dma_start3A_206 = tpu.memref_slice %arg4[%mul3A_204] : memref<5120000xf32, #tpu.memory_space<hbm>> -> memref<2048xf32, #tpu.memory_space<hbm>>
      tpu.enqueue_dma source(%dma_start3A_206 : memref<2048xf32, #tpu.memory_space<hbm>>) target(%arg15 : memref<2048xf32, #tpu.memory_space<vmem>>) target_semaphore(%arg26 : memref<!tpu.dma_semaphore, #tpu.memory_space<semaphore_mem>>)
      %dma_wait3A_207 = arith.constant 0 : i32
      %dma_wait3A_208 = arith.constant 0 : i32
      %dma_wait3A_209 = tpu.memref_slice %arg2[%dma_wait3A_207, %dma_wait3A_208] : memref<10000x16xf32, #tpu.memory_space<hbm>> -> memref<10000x16xf32, #tpu.memory_space<hbm>>
      tpu.wait_indirect_dma semaphore(%arg27 : memref<!tpu.dma_semaphore, #tpu.memory_space<semaphore_mem>>) src(%dma_wait3A_209 : memref<10000x16xf32, #tpu.memory_space<hbm>>) dst(%arg16 : memref<128x16xf32, #tpu.memory_space<vmem>>)
      %dma_wait3A_210 = arith.constant 0 : i32
      %dma_wait3A_211 = arith.constant 0 : i32
      %dma_wait3A_212 = tpu.memref_slice %arg3[%dma_wait3A_210, %dma_wait3A_211] : memref<10000x16xf32, #tpu.memory_space<hbm>> -> memref<10000x16xf32, #tpu.memory_space<hbm>>
      tpu.wait_indirect_dma semaphore(%arg27 : memref<!tpu.dma_semaphore, #tpu.memory_space<semaphore_mem>>) src(%dma_wait3A_212 : memref<10000x16xf32, #tpu.memory_space<hbm>>) dst(%arg18 : memref<128x16xf32, #tpu.memory_space<vmem>>)
      %dma_wait3A_213 = arith.constant 0 : i32
      %dma_wait3A_214 = arith.constant 0 : i32
      %dma_wait3A_215 = tpu.memref_slice %arg5[%dma_wait3A_213, %dma_wait3A_214] : memref<2x320000xi32, #tpu.memory_space<hbm>> -> memref<1x128xi32, #tpu.memory_space<hbm>>
      %dma_wait3A_216 = tpu.memref_squeeze %dma_wait3A_215 : memref<1x128xi32, #tpu.memory_space<hbm>> -> memref<128xi32, #tpu.memory_space<hbm>>
      %dma_wait3A_217 = arith.constant 0 : i32
      %dma_wait3A_218 = tpu.memref_slice %arg5[%dma_wait3A_213, %dma_wait3A_217] : memref<2x320000xi32, #tpu.memory_space<hbm>> -> memref<1x128xi32, #tpu.memory_space<hbm>>
      %dma_wait3A_219 = tpu.memref_squeeze %dma_wait3A_218 : memref<1x128xi32, #tpu.memory_space<hbm>> -> memref<128xi32, #tpu.memory_space<hbm>>
      tpu.wait_dma2 semaphore(%arg26 : memref<!tpu.dma_semaphore, #tpu.memory_space<semaphore_mem>>) src(%dma_wait3A_219 : memref<128xi32, #tpu.memory_space<hbm>>) dst(%arg11 : memref<128xi32, #tpu.memory_space<vmem>>)
      %dma_wait3A_220 = arith.constant 1 : i32
      %dma_wait3A_221 = arith.constant 0 : i32
      %dma_wait3A_222 = tpu.memref_slice %arg5[%dma_wait3A_220, %dma_wait3A_221] : memref<2x320000xi32, #tpu.memory_space<hbm>> -> memref<1x128xi32, #tpu.memory_space<hbm>>
      %dma_wait3A_223 = tpu.memref_squeeze %dma_wait3A_222 : memref<1x128xi32, #tpu.memory_space<hbm>> -> memref<128xi32, #tpu.memory_space<hbm>>
      %dma_wait3A_224 = arith.constant 0 : i32
      %dma_wait3A_225 = tpu.memref_slice %arg5[%dma_wait3A_220, %dma_wait3A_224] : memref<2x320000xi32, #tpu.memory_space<hbm>> -> memref<1x128xi32, #tpu.memory_space<hbm>>
      %dma_wait3A_226 = tpu.memref_squeeze %dma_wait3A_225 : memref<1x128xi32, #tpu.memory_space<hbm>> -> memref<128xi32, #tpu.memory_space<hbm>>
      tpu.wait_dma2 semaphore(%arg26 : memref<!tpu.dma_semaphore, #tpu.memory_space<semaphore_mem>>) src(%dma_wait3A_226 : memref<128xi32, #tpu.memory_space<hbm>>) dst(%arg13 : memref<128xi32, #tpu.memory_space<vmem>>)
      %dma_wait3A_227 = arith.constant 0 : i32
      %dma_wait3A_228 = tpu.memref_slice %arg4[%dma_wait3A_227] : memref<5120000xf32, #tpu.memory_space<hbm>> -> memref<2048xf32, #tpu.memory_space<hbm>>
      %dma_wait3A_229 = arith.constant 0 : i32
      %dma_wait3A_230 = tpu.memref_slice %arg4[%dma_wait3A_229] : memref<5120000xf32, #tpu.memory_space<hbm>> -> memref<2048xf32, #tpu.memory_space<hbm>>
      tpu.wait_dma2 semaphore(%arg26 : memref<!tpu.dma_semaphore, #tpu.memory_space<semaphore_mem>>) src(%dma_wait3A_230 : memref<2048xf32, #tpu.memory_space<hbm>>) dst(%arg15 : memref<2048xf32, #tpu.memory_space<vmem>>)
      %dma_start3A_231 = arith.constant 0 : i32
      %dma_start3A_232 = arith.constant 0 : i32
      %dma_start3A_233 = tpu.memref_slice %arg2[%dma_start3A_231, %dma_start3A_232] : memref<10000x16xf32, #tpu.memory_space<hbm>> -> memref<10000x16xf32, #tpu.memory_space<hbm>>
      tpu.enqueue_indirect_dma source(%dma_start3A_233 : memref<10000x16xf32, #tpu.memory_space<hbm>>) target(%arg17 : memref<128x16xf32, #tpu.memory_space<vmem>>) offsets(%arg11 : memref<128xi32, #tpu.memory_space<vmem>>) semaphore(%arg28 : memref<!tpu.dma_semaphore, #tpu.memory_space<semaphore_mem>>)
      %dma_start3A_234 = arith.constant 0 : i32
      %dma_start3A_235 = arith.constant 0 : i32
      %dma_start3A_236 = tpu.memref_slice %arg3[%dma_start3A_234, %dma_start3A_235] : memref<10000x16xf32, #tpu.memory_space<hbm>> -> memref<10000x16xf32, #tpu.memory_space<hbm>>
      tpu.enqueue_indirect_dma source(%dma_start3A_236 : memref<10000x16xf32, #tpu.memory_space<hbm>>) target(%arg19 : memref<128x16xf32, #tpu.memory_space<vmem>>) offsets(%arg13 : memref<128xi32, #tpu.memory_space<vmem>>) semaphore(%arg28 : memref<!tpu.dma_semaphore, #tpu.memory_space<semaphore_mem>>)
      %dma_start3A_237 = arith.constant 0 : i32
      %dma_start3A_238 = tpu.memref_slice %arg24[%dma_start3A_237] : memref<10000xf32, #tpu.memory_space<vmem_shared>> -> memref<10000xf32, #tpu.memory_space<vmem_shared>>
      tpu.enqueue_indirect_dma source(%arg22 : memref<128xf32, #tpu.memory_space<vmem>>) target(%dma_start3A_238 : memref<10000xf32, #tpu.memory_space<vmem_shared>>) offsets(%arg13 : memref<128xi32, #tpu.memory_space<vmem>>) semaphore(%arg32 : memref<!tpu.dma_semaphore, #tpu.memory_space<semaphore_mem>>) {add = true}
      %gt3A_239 = arith.constant 0 : i32
      %gt3A_240 = arith.cmpi sgt, %scan3A_151, %gt3A_239 : i32
      %convert_element_type3A_241 = arith.extui %gt3A_240 : i1 to i32
      %cond3A_242 = arith.constant 0 : i32
      %cond3A_243 = arith.cmpi ne, %convert_element_type3A_241, %cond3A_242 : i32
      scf.if %cond3A_243 {
        %dma_wait3A_306 = arith.constant 0 : i32
        %dma_wait3A_307 = tpu.memref_slice %arg7[%dma_wait3A_306] : memref<5120000xf32, #tpu.memory_space<hbm>> -> memref<2048xf32, #tpu.memory_space<hbm>>
        %dma_wait3A_308 = arith.constant 0 : i32
        %dma_wait3A_309 = tpu.memref_slice %arg7[%dma_wait3A_308] : memref<5120000xf32, #tpu.memory_space<hbm>> -> memref<2048xf32, #tpu.memory_space<hbm>>
        tpu.wait_dma2 semaphore(%arg29 : memref<!tpu.dma_semaphore, #tpu.memory_space<semaphore_mem>>) src(%arg20 : memref<2048xf32, #tpu.memory_space<vmem>>) dst(%dma_wait3A_309 : memref<2048xf32, #tpu.memory_space<hbm>>)
      } else {
      }
      %scan3A_244 = arith.constant 0 : i32
      %scan3A_245 = arith.constant 64 : i32
      %scan3A_246 = arith.addi %scan3A_244, %scan3A_245 : i32
      %scan3A_247 = arith.constant 1 : i32
      %scan3A_248:2 = scf.for %scan3A_306 = %scan3A_244 to %scan3A_246 step %scan3A_247 iter_args(%scan3A_307 = %scan3A_152, %scan3A_308 = %scan3A_153) -> (vector<16xf32>, vector<16xf32>)  : i32 {
        %mul3A_309 = arith.constant 2 : i32
        %mul3A_310 = arith.muli %mul3A_309, %scan3A_306 : i32
        %get3A = arith.index_cast %mul3A_310 : i32 to index
        %get3A_311 = arith.constant 0 : index
        %get3A_312 = tpu.vector_load %arg16[%get3A, %get3A_311] {strides = array<i32>} : memref<128x16xf32, #tpu.memory_space<vmem>>, vector<16xf32>,
        %get3A_313 = arith.index_cast %mul3A_310 : i32 to index
        %get3A_314 = arith.constant 0 : index
        %get3A_315 = tpu.vector_load %arg18[%get3A_313, %get3A_314] {strides = array<i32>} : memref<128x16xf32, #tpu.memory_space<vmem>>, vector<16xf32>,
        %add3A_316 = arith.addf %get3A_312, %get3A_315 : vector<16xf32>
        %mul3A_317 = arith.constant 16 : i32
        %mul3A_318 = arith.muli %mul3A_310, %mul3A_317 : i32
        %get3A_319 = arith.index_cast %mul3A_318 : i32 to index
        %get3A_320 = tpu.vector_load %arg14[%get3A_319] {strides = array<i32>} : memref<2048xf32, #tpu.memory_space<vmem>>, vector<16xf32>,
        %add3A_321 = arith.addf %add3A_316, %get3A_320 : vector<16xf32>
        %mul3A_322 = arith.constant 16 : i32
        %mul3A_323 = arith.muli %mul3A_310, %mul3A_322 : i32
        %swap3A_324 = arith.index_cast %mul3A_323 : i32 to index
        %swap3A_325 = tpu.vector_load %arg20[%swap3A_324] {strides = array<i32>} : memref<2048xf32, #tpu.memory_space<vmem>>, vector<16xf32>,
        tpu.vector_store %arg20[%swap3A_324], %add3A_321 {strides = array<i32>} : memref<2048xf32, #tpu.memory_space<vmem>>, vector<16xf32>,
        %add3A_326 = arith.constant 1 : i32
        %add3A_327 = arith.addi %mul3A_310, %add3A_326 : i32
        %get3A_328 = arith.index_cast %add3A_327 : i32 to index
        %get3A_329 = arith.constant 0 : index
        %get3A_330 = tpu.vector_load %arg16[%get3A_328, %get3A_329] {strides = array<i32>} : memref<128x16xf32, #tpu.memory_space<vmem>>, vector<16xf32>,
        %get3A_331 = arith.index_cast %add3A_327 : i32 to index
        %get3A_332 = arith.constant 0 : index
        %get3A_333 = tpu.vector_load %arg18[%get3A_331, %get3A_332] {strides = array<i32>} : memref<128x16xf32, #tpu.memory_space<vmem>>, vector<16xf32>,
        %add3A_334 = arith.addf %get3A_330, %get3A_333 : vector<16xf32>
        %mul3A_335 = arith.constant 16 : i32
        %mul3A_336 = arith.muli %add3A_327, %mul3A_335 : i32
        %get3A_337 = arith.index_cast %mul3A_336 : i32 to index
        %get3A_338 = tpu.vector_load %arg14[%get3A_337] {strides = array<i32>} : memref<2048xf32, #tpu.memory_space<vmem>>, vector<16xf32>,
        %add3A_339 = arith.addf %add3A_334, %get3A_338 : vector<16xf32>
        %mul3A_340 = arith.constant 16 : i32
        %mul3A_341 = arith.muli %add3A_327, %mul3A_340 : i32
        %swap3A_342 = arith.index_cast %mul3A_341 : i32 to index
        %swap3A_343 = tpu.vector_load %arg20[%swap3A_342] {strides = array<i32>} : memref<2048xf32, #tpu.memory_space<vmem>>, vector<16xf32>,
        tpu.vector_store %arg20[%swap3A_342], %add3A_339 {strides = array<i32>} : memref<2048xf32, #tpu.memory_space<vmem>>, vector<16xf32>,
        %add3A_344 = arith.addf %scan3A_307, %add3A_321 : vector<16xf32>
        %add3A_345 = arith.addf %add3A_344, %add3A_339 : vector<16xf32>
        %mul3A_346 = arith.mulf %add3A_321, %add3A_321 : vector<16xf32>
        %add3A_347 = arith.addf %scan3A_308, %mul3A_346 : vector<16xf32>
        %mul3A_348 = arith.mulf %add3A_339, %add3A_339 : vector<16xf32>
        %add3A_349 = arith.addf %add3A_347, %mul3A_348 : vector<16xf32>
        scf.yield %add3A_345, %add3A_349 : vector<16xf32>, vector<16xf32>
      }
      %scan3A_249 = arith.constant 64 : i32
      %mul3A_250 = arith.constant 32 : i32
      %mul3A_251 = arith.muli %mul3A_155, %mul3A_250 : i32
      %add3A_252 = arith.addi %add3A, %mul3A_251 : i32
      %mul3A_253 = arith.constant 2048 : i32
      %mul3A_254 = arith.muli %add3A_252, %mul3A_253 : i32
      %dma_start3A_255 = tpu.memref_slice %arg7[%mul3A_254] : memref<5120000xf32, #tpu.memory_space<hbm>> -> memref<2048xf32, #tpu.memory_space<hbm>>
      %dma_start3A_256 = tpu.memref_slice %arg7[%mul3A_254] : memref<5120000xf32, #tpu.memory_space<hbm>> -> memref<2048xf32, #tpu.memory_space<hbm>>
      tpu.enqueue_dma source(%arg20 : memref<2048xf32, #tpu.memory_space<vmem>>) target(%dma_start3A_256 : memref<2048xf32, #tpu.memory_space<hbm>>) target_semaphore(%arg29 : memref<!tpu.dma_semaphore, #tpu.memory_space<semaphore_mem>>)
      %dma_wait3A_257 = arith.constant 0 : i32
      %dma_wait3A_258 = tpu.memref_slice %arg24[%dma_wait3A_257] : memref<10000xf32, #tpu.memory_space<vmem_shared>> -> memref<10000xf32, #tpu.memory_space<vmem_shared>>
      tpu.wait_indirect_dma semaphore(%arg31 : memref<!tpu.dma_semaphore, #tpu.memory_space<semaphore_mem>>) src(%arg22 : memref<128xf32, #tpu.memory_space<vmem>>) dst(%dma_wait3A_258 : memref<10000xf32, #tpu.memory_space<vmem_shared>>)
      %add3A_259 = arith.constant 2 : i32
      %add3A_260 = arith.addi %mul3A_155, %add3A_259 : i32
      %lt3A_261 = arith.constant 78 : i32
      %lt3A_262 = arith.cmpi slt, %add3A_260, %lt3A_261 : i32
      %add3A_263 = arith.constant 2 : i32
      %add3A_264 = arith.addi %mul3A_155, %add3A_263 : i32
      %mul3A_265 = arith.constant 32 : i32
      %mul3A_266 = arith.muli %add3A_264, %mul3A_265 : i32
      %add3A_267 = arith.addi %add3A, %mul3A_266 : i32
      %select_n3A_268 = arith.select %lt3A_262, %add3A_267, %add3A_50 : i32
      %mul3A_269 = arith.constant 128 : i32
      %mul3A_270 = arith.muli %select_n3A_268, %mul3A_269 : i32
      %dma_start3A_271 = arith.constant 0 : i32
      %dma_start3A_272 = tpu.memref_slice %arg5[%dma_start3A_271, %mul3A_270] : memref<2x320000xi32, #tpu.memory_space<hbm>> -> memref<1x128xi32, #tpu.memory_space<hbm>>
      %dma_start3A_273 = tpu.memref_squeeze %dma_start3A_272 : memref<1x128xi32, #tpu.memory_space<hbm>> -> memref<128xi32, #tpu.memory_space<hbm>>
      %dma_start3A_274 = tpu.memref_slice %arg5[%dma_start3A_271, %mul3A_270] : memref<2x320000xi32, #tpu.memory_space<hbm>> -> memref<1x128xi32, #tpu.memory_space<hbm>>
      %dma_start3A_275 = tpu.memref_squeeze %dma_start3A_274 : memref<1x128xi32, #tpu.memory_space<hbm>> -> memref<128xi32, #tpu.memory_space<hbm>>
      tpu.enqueue_dma source(%dma_start3A_275 : memref<128xi32, #tpu.memory_space<hbm>>) target(%arg10 : memref<128xi32, #tpu.memory_space<vmem>>) target_semaphore(%arg25 : memref<!tpu.dma_semaphore, #tpu.memory_space<semaphore_mem>>)
      %dma_start3A_276 = arith.constant 1 : i32
      %dma_start3A_277 = tpu.memref_slice %arg5[%dma_start3A_276, %mul3A_270] : memref<2x320000xi32, #tpu.memory_space<hbm>> -> memref<1x128xi32, #tpu.memory_space<hbm>>
      %dma_start3A_278 = tpu.memref_squeeze %dma_start3A_277 : memref<1x128xi32, #tpu.memory_space<hbm>> -> memref<128xi32, #tpu.memory_space<hbm>>
      %dma_start3A_279 = tpu.memref_slice %arg5[%dma_start3A_276, %mul3A_270] : memref<2x320000xi32, #tpu.memory_space<hbm>> -> memref<1x128xi32, #tpu.memory_space<hbm>>
      %dma_start3A_280 = tpu.memref_squeeze %dma_start3A_279 : memref<1x128xi32, #tpu.memory_space<hbm>> -> memref<128xi32, #tpu.memory_space<hbm>>
      tpu.enqueue_dma source(%dma_start3A_280 : memref<128xi32, #tpu.memory_space<hbm>>) target(%arg12 : memref<128xi32, #tpu.memory_space<vmem>>) target_semaphore(%arg25 : memref<!tpu.dma_semaphore, #tpu.memory_space<semaphore_mem>>)
      %mul3A_281 = arith.constant 2048 : i32
      %mul3A_282 = arith.muli %select_n3A_268, %mul3A_281 : i32
      %dma_start3A_283 = tpu.memref_slice %arg4[%mul3A_282] : memref<5120000xf32, #tpu.memory_space<hbm>> -> memref<2048xf32, #tpu.memory_space<hbm>>
      %dma_start3A_284 = tpu.memref_slice %arg4[%mul3A_282] : memref<5120000xf32, #tpu.memory_space<hbm>> -> memref<2048xf32, #tpu.memory_space<hbm>>
      tpu.enqueue_dma source(%dma_start3A_284 : memref<2048xf32, #tpu.memory_space<hbm>>) target(%arg14 : memref<2048xf32, #tpu.memory_space<vmem>>) target_semaphore(%arg25 : memref<!tpu.dma_semaphore, #tpu.memory_space<semaphore_mem>>)
      %dma_wait3A_285 = arith.constant 0 : i32
      %dma_wait3A_286 = arith.constant 0 : i32
      %dma_wait3A_287 = tpu.memref_slice %arg2[%dma_wait3A_285, %dma_wait3A_286] : memref<10000x16xf32, #tpu.memory_space<hbm>> -> memref<10000x16xf32, #tpu.memory_space<hbm>>
      tpu.wait_indirect_dma semaphore(%arg28 : memref<!tpu.dma_semaphore, #tpu.memory_space<semaphore_mem>>) src(%dma_wait3A_287 : memref<10000x16xf32, #tpu.memory_space<hbm>>) dst(%arg17 : memref<128x16xf32, #tpu.memory_space<vmem>>)
      %dma_wait3A_288 = arith.constant 0 : i32
      %dma_wait3A_289 = arith.constant 0 : i32
      %dma_wait3A_290 = tpu.memref_slice %arg3[%dma_wait3A_288, %dma_wait3A_289] : memref<10000x16xf32, #tpu.memory_space<hbm>> -> memref<10000x16xf32, #tpu.memory_space<hbm>>
      tpu.wait_indirect_dma semaphore(%arg28 : memref<!tpu.dma_semaphore, #tpu.memory_space<semaphore_mem>>) src(%dma_wait3A_290 : memref<10000x16xf32, #tpu.memory_space<hbm>>) dst(%arg19 : memref<128x16xf32, #tpu.memory_space<vmem>>)
      %scan3A_291 = arith.constant 0 : i32
      %scan3A_292 = arith.constant 64 : i32
      %scan3A_293 = arith.addi %scan3A_291, %scan3A_292 : i32
      %scan3A_294 = arith.constant 1 : i32
      %scan3A_295:2 = scf.for %scan3A_306 = %scan3A_291 to %scan3A_293 step %scan3A_294 iter_args(%scan3A_307 = %scan3A_248#0, %scan3A_308 = %scan3A_248#1) -> (vector<16xf32>, vector<16xf32>)  : i32 {
        %mul3A_309 = arith.constant 2 : i32
        %mul3A_310 = arith.muli %mul3A_309, %scan3A_306 : i32
        %get3A = arith.index_cast %mul3A_310 : i32 to index
        %get3A_311 = arith.constant 0 : index
        %get3A_312 = tpu.vector_load %arg17[%get3A, %get3A_311] {strides = array<i32>} : memref<128x16xf32, #tpu.memory_space<vmem>>, vector<16xf32>,
        %get3A_313 = arith.index_cast %mul3A_310 : i32 to index
        %get3A_314 = arith.constant 0 : index
        %get3A_315 = tpu.vector_load %arg19[%get3A_313, %get3A_314] {strides = array<i32>} : memref<128x16xf32, #tpu.memory_space<vmem>>, vector<16xf32>,
        %add3A_316 = arith.addf %get3A_312, %get3A_315 : vector<16xf32>
        %mul3A_317 = arith.constant 16 : i32
        %mul3A_318 = arith.muli %mul3A_310, %mul3A_317 : i32
        %get3A_319 = arith.index_cast %mul3A_318 : i32 to index
        %get3A_320 = tpu.vector_load %arg15[%get3A_319] {strides = array<i32>} : memref<2048xf32, #tpu.memory_space<vmem>>, vector<16xf32>,
        %add3A_321 = arith.addf %add3A_316, %get3A_320 : vector<16xf32>
        %mul3A_322 = arith.constant 16 : i32
        %mul3A_323 = arith.muli %mul3A_310, %mul3A_322 : i32
        %swap3A_324 = arith.index_cast %mul3A_323 : i32 to index
        %swap3A_325 = tpu.vector_load %arg21[%swap3A_324] {strides = array<i32>} : memref<2048xf32, #tpu.memory_space<vmem>>, vector<16xf32>,
        tpu.vector_store %arg21[%swap3A_324], %add3A_321 {strides = array<i32>} : memref<2048xf32, #tpu.memory_space<vmem>>, vector<16xf32>,
        %add3A_326 = arith.constant 1 : i32
        %add3A_327 = arith.addi %mul3A_310, %add3A_326 : i32
        %get3A_328 = arith.index_cast %add3A_327 : i32 to index
        %get3A_329 = arith.constant 0 : index
        %get3A_330 = tpu.vector_load %arg17[%get3A_328, %get3A_329] {strides = array<i32>} : memref<128x16xf32, #tpu.memory_space<vmem>>, vector<16xf32>,
        %get3A_331 = arith.index_cast %add3A_327 : i32 to index
        %get3A_332 = arith.constant 0 : index
        %get3A_333 = tpu.vector_load %arg19[%get3A_331, %get3A_332] {strides = array<i32>} : memref<128x16xf32, #tpu.memory_space<vmem>>, vector<16xf32>,
        %add3A_334 = arith.addf %get3A_330, %get3A_333 : vector<16xf32>
        %mul3A_335 = arith.constant 16 : i32
        %mul3A_336 = arith.muli %add3A_327, %mul3A_335 : i32
        %get3A_337 = arith.index_cast %mul3A_336 : i32 to index
        %get3A_338 = tpu.vector_load %arg15[%get3A_337] {strides = array<i32>} : memref<2048xf32, #tpu.memory_space<vmem>>, vector<16xf32>,
        %add3A_339 = arith.addf %add3A_334, %get3A_338 : vector<16xf32>
        %mul3A_340 = arith.constant 16 : i32
        %mul3A_341 = arith.muli %add3A_327, %mul3A_340 : i32
        %swap3A_342 = arith.index_cast %mul3A_341 : i32 to index
        %swap3A_343 = tpu.vector_load %arg21[%swap3A_342] {strides = array<i32>} : memref<2048xf32, #tpu.memory_space<vmem>>, vector<16xf32>,
        tpu.vector_store %arg21[%swap3A_342], %add3A_339 {strides = array<i32>} : memref<2048xf32, #tpu.memory_space<vmem>>, vector<16xf32>,
        %add3A_344 = arith.addf %scan3A_307, %add3A_321 : vector<16xf32>
        %add3A_345 = arith.addf %add3A_344, %add3A_339 : vector<16xf32>
        %mul3A_346 = arith.mulf %add3A_321, %add3A_321 : vector<16xf32>
        %add3A_347 = arith.addf %scan3A_308, %mul3A_346 : vector<16xf32>
        %mul3A_348 = arith.mulf %add3A_339, %add3A_339 : vector<16xf32>
        %add3A_349 = arith.addf %add3A_347, %mul3A_348 : vector<16xf32>
        scf.yield %add3A_345, %add3A_349 : vector<16xf32>, vector<16xf32>
      }
      %scan3A_296 = arith.constant 64 : i32
      %add3A_297 = arith.constant 1 : i32
      %add3A_298 = arith.addi %mul3A_155, %add3A_297 : i32
      %mul3A_299 = arith.constant 32 : i32
      %mul3A_300 = arith.muli %add3A_298, %mul3A_299 : i32
      %add3A_301 = arith.addi %add3A, %mul3A_300 : i32
      %mul3A_302 = arith.constant 2048 : i32
      %mul3A_303 = arith.muli %add3A_301, %mul3A_302 : i32
      %dma_start3A_304 = tpu.memref_slice %arg7[%mul3A_303] : memref<5120000xf32, #tpu.memory_space<hbm>> -> memref<2048xf32, #tpu.memory_space<hbm>>
      %dma_start3A_305 = tpu.memref_slice %arg7[%mul3A_303] : memref<5120000xf32, #tpu.memory_space<hbm>> -> memref<2048xf32, #tpu.memory_space<hbm>>
      tpu.enqueue_dma source(%arg21 : memref<2048xf32, #tpu.memory_space<vmem>>) target(%dma_start3A_305 : memref<2048xf32, #tpu.memory_space<hbm>>) target_semaphore(%arg30 : memref<!tpu.dma_semaphore, #tpu.memory_space<semaphore_mem>>)
      scf.yield %scan3A_295#0, %scan3A_295#1 : vector<16xf32>, vector<16xf32>
    }
    %scan3A_57 = arith.constant 39 : i32
    %dma_wait3A = arith.constant 0 : i32
    %dma_wait3A_58 = tpu.memref_slice %arg24[%dma_wait3A] : memref<10000xf32, #tpu.memory_space<vmem_shared>> -> memref<10000xf32, #tpu.memory_space<vmem_shared>>
    tpu.wait_indirect_dma semaphore(%arg32 : memref<!tpu.dma_semaphore, #tpu.memory_space<semaphore_mem>>) src(%arg22 : memref<128xf32, #tpu.memory_space<vmem>>) dst(%dma_wait3A_58 : memref<10000xf32, #tpu.memory_space<vmem_shared>>)
    %lt3A = arith.constant 4 : i32
    %lt3A_59 = arith.cmpi slt, %add3A, %lt3A : i32
    %jit3A = arith.constant 1.000000e+00 : f32
    %jit3A_60 = arith.constant 0.000000e+00 : f32
    %select_n3A = arith.select %lt3A_59, %jit3A, %jit3A_60 : f32
    %broadcast_in_dim3A_61 = vector.broadcast %select_n3A : f32 to vector<16xf32>
    %swap3A_62 = arith.constant 0 : index
    %swap3A_63 = tpu.vector_load %arg22[%swap3A_62] {strides = array<i32>} : memref<128xf32, #tpu.memory_space<vmem>>, vector<16xf32>,
    tpu.vector_store %arg22[%swap3A_62], %broadcast_in_dim3A_61 {strides = array<i32>} : memref<128xf32, #tpu.memory_space<vmem>>, vector<16xf32>,
    %broadcast_in_dim3A_64 = vector.broadcast %select_n3A : f32 to vector<16xf32>
    %swap3A_65 = arith.constant 16 : index
    %swap3A_66 = tpu.vector_load %arg22[%swap3A_65] {strides = array<i32>} : memref<128xf32, #tpu.memory_space<vmem>>, vector<16xf32>,
    tpu.vector_store %arg22[%swap3A_65], %broadcast_in_dim3A_64 {strides = array<i32>} : memref<128xf32, #tpu.memory_space<vmem>>, vector<16xf32>,
    %broadcast_in_dim3A_67 = vector.broadcast %select_n3A : f32 to vector<16xf32>
    %swap3A_68 = arith.constant 32 : index
    %swap3A_69 = tpu.vector_load %arg22[%swap3A_68] {strides = array<i32>} : memref<128xf32, #tpu.memory_space<vmem>>, vector<16xf32>,
    tpu.vector_store %arg22[%swap3A_68], %broadcast_in_dim3A_67 {strides = array<i32>} : memref<128xf32, #tpu.memory_space<vmem>>, vector<16xf32>,
    %broadcast_in_dim3A_70 = vector.broadcast %select_n3A : f32 to vector<16xf32>
    %swap3A_71 = arith.constant 48 : index
    %swap3A_72 = tpu.vector_load %arg22[%swap3A_71] {strides = array<i32>} : memref<128xf32, #tpu.memory_space<vmem>>, vector<16xf32>,
    tpu.vector_store %arg22[%swap3A_71], %broadcast_in_dim3A_70 {strides = array<i32>} : memref<128xf32, #tpu.memory_space<vmem>>, vector<16xf32>,
    %broadcast_in_dim3A_73 = vector.broadcast %select_n3A : f32 to vector<16xf32>
    %swap3A_74 = arith.constant 64 : index
    %swap3A_75 = tpu.vector_load %arg22[%swap3A_74] {strides = array<i32>} : memref<128xf32, #tpu.memory_space<vmem>>, vector<16xf32>,
    tpu.vector_store %arg22[%swap3A_74], %broadcast_in_dim3A_73 {strides = array<i32>} : memref<128xf32, #tpu.memory_space<vmem>>, vector<16xf32>,
    %broadcast_in_dim3A_76 = vector.broadcast %select_n3A : f32 to vector<16xf32>
    %swap3A_77 = arith.constant 80 : index
    %swap3A_78 = tpu.vector_load %arg22[%swap3A_77] {strides = array<i32>} : memref<128xf32, #tpu.memory_space<vmem>>, vector<16xf32>,
    tpu.vector_store %arg22[%swap3A_77], %broadcast_in_dim3A_76 {strides = array<i32>} : memref<128xf32, #tpu.memory_space<vmem>>, vector<16xf32>,
    %broadcast_in_dim3A_79 = vector.broadcast %select_n3A : f32 to vector<16xf32>
    %swap3A_80 = arith.constant 96 : index
    %swap3A_81 = tpu.vector_load %arg22[%swap3A_80] {strides = array<i32>} : memref<128xf32, #tpu.memory_space<vmem>>, vector<16xf32>,
    tpu.vector_store %arg22[%swap3A_80], %broadcast_in_dim3A_79 {strides = array<i32>} : memref<128xf32, #tpu.memory_space<vmem>>, vector<16xf32>,
    %broadcast_in_dim3A_82 = vector.broadcast %select_n3A : f32 to vector<16xf32>
    %swap3A_83 = arith.constant 112 : index
    %swap3A_84 = tpu.vector_load %arg22[%swap3A_83] {strides = array<i32>} : memref<128xf32, #tpu.memory_space<vmem>>, vector<16xf32>,
    tpu.vector_store %arg22[%swap3A_83], %broadcast_in_dim3A_82 {strides = array<i32>} : memref<128xf32, #tpu.memory_space<vmem>>, vector<16xf32>,
    %dma_wait3A_85 = arith.constant 0 : i32
    %dma_wait3A_86 = arith.constant 0 : i32
    %dma_wait3A_87 = tpu.memref_slice %arg5[%dma_wait3A_85, %dma_wait3A_86] : memref<2x320000xi32, #tpu.memory_space<hbm>> -> memref<1x128xi32, #tpu.memory_space<hbm>>
    %dma_wait3A_88 = tpu.memref_squeeze %dma_wait3A_87 : memref<1x128xi32, #tpu.memory_space<hbm>> -> memref<128xi32, #tpu.memory_space<hbm>>
    %dma_wait3A_89 = arith.constant 0 : i32
    %dma_wait3A_90 = tpu.memref_slice %arg5[%dma_wait3A_85, %dma_wait3A_89] : memref<2x320000xi32, #tpu.memory_space<hbm>> -> memref<1x128xi32, #tpu.memory_space<hbm>>
    %dma_wait3A_91 = tpu.memref_squeeze %dma_wait3A_90 : memref<1x128xi32, #tpu.memory_space<hbm>> -> memref<128xi32, #tpu.memory_space<hbm>>
    tpu.wait_dma2 semaphore(%arg25 : memref<!tpu.dma_semaphore, #tpu.memory_space<semaphore_mem>>) src(%dma_wait3A_91 : memref<128xi32, #tpu.memory_space<hbm>>) dst(%arg10 : memref<128xi32, #tpu.memory_space<vmem>>)
    %dma_wait3A_92 = arith.constant 1 : i32
    %dma_wait3A_93 = arith.constant 0 : i32
    %dma_wait3A_94 = tpu.memref_slice %arg5[%dma_wait3A_92, %dma_wait3A_93] : memref<2x320000xi32, #tpu.memory_space<hbm>> -> memref<1x128xi32, #tpu.memory_space<hbm>>
    %dma_wait3A_95 = tpu.memref_squeeze %dma_wait3A_94 : memref<1x128xi32, #tpu.memory_space<hbm>> -> memref<128xi32, #tpu.memory_space<hbm>>
    %dma_wait3A_96 = arith.constant 0 : i32
    %dma_wait3A_97 = tpu.memref_slice %arg5[%dma_wait3A_92, %dma_wait3A_96] : memref<2x320000xi32, #tpu.memory_space<hbm>> -> memref<1x128xi32, #tpu.memory_space<hbm>>
    %dma_wait3A_98 = tpu.memref_squeeze %dma_wait3A_97 : memref<1x128xi32, #tpu.memory_space<hbm>> -> memref<128xi32, #tpu.memory_space<hbm>>
    tpu.wait_dma2 semaphore(%arg25 : memref<!tpu.dma_semaphore, #tpu.memory_space<semaphore_mem>>) src(%dma_wait3A_98 : memref<128xi32, #tpu.memory_space<hbm>>) dst(%arg12 : memref<128xi32, #tpu.memory_space<vmem>>)
    %dma_wait3A_99 = arith.constant 0 : i32
    %dma_wait3A_100 = tpu.memref_slice %arg4[%dma_wait3A_99] : memref<5120000xf32, #tpu.memory_space<hbm>> -> memref<2048xf32, #tpu.memory_space<hbm>>
    %dma_wait3A_101 = arith.constant 0 : i32
    %dma_wait3A_102 = tpu.memref_slice %arg4[%dma_wait3A_101] : memref<5120000xf32, #tpu.memory_space<hbm>> -> memref<2048xf32, #tpu.memory_space<hbm>>
    tpu.wait_dma2 semaphore(%arg25 : memref<!tpu.dma_semaphore, #tpu.memory_space<semaphore_mem>>) src(%dma_wait3A_102 : memref<2048xf32, #tpu.memory_space<hbm>>) dst(%arg14 : memref<2048xf32, #tpu.memory_space<vmem>>)
    %dma_start3A_103 = arith.constant 0 : i32
    %dma_start3A_104 = arith.constant 0 : i32
    %dma_start3A_105 = tpu.memref_slice %arg2[%dma_start3A_103, %dma_start3A_104] : memref<10000x16xf32, #tpu.memory_space<hbm>> -> memref<10000x16xf32, #tpu.memory_space<hbm>>
    tpu.enqueue_indirect_dma source(%dma_start3A_105 : memref<10000x16xf32, #tpu.memory_space<hbm>>) target(%arg16 : memref<128x16xf32, #tpu.memory_space<vmem>>) offsets(%arg10 : memref<128xi32, #tpu.memory_space<vmem>>) semaphore(%arg27 : memref<!tpu.dma_semaphore, #tpu.memory_space<semaphore_mem>>)
    %dma_start3A_106 = arith.constant 0 : i32
    %dma_start3A_107 = arith.constant 0 : i32
    %dma_start3A_108 = tpu.memref_slice %arg3[%dma_start3A_106, %dma_start3A_107] : memref<10000x16xf32, #tpu.memory_space<hbm>> -> memref<10000x16xf32, #tpu.memory_space<hbm>>
    tpu.enqueue_indirect_dma source(%dma_start3A_108 : memref<10000x16xf32, #tpu.memory_space<hbm>>) target(%arg18 : memref<128x16xf32, #tpu.memory_space<vmem>>) offsets(%arg12 : memref<128xi32, #tpu.memory_space<vmem>>) semaphore(%arg27 : memref<!tpu.dma_semaphore, #tpu.memory_space<semaphore_mem>>)
    %dma_start3A_109 = arith.constant 0 : i32
    %dma_start3A_110 = tpu.memref_slice %arg24[%dma_start3A_109] : memref<10000xf32, #tpu.memory_space<vmem_shared>> -> memref<10000xf32, #tpu.memory_space<vmem_shared>>
    tpu.enqueue_indirect_dma source(%arg22 : memref<128xf32, #tpu.memory_space<vmem>>) target(%dma_start3A_110 : memref<10000xf32, #tpu.memory_space<vmem_shared>>) offsets(%arg12 : memref<128xi32, #tpu.memory_space<vmem>>) semaphore(%arg31 : memref<!tpu.dma_semaphore, #tpu.memory_space<semaphore_mem>>) {add = true}
    %dma_wait3A_111 = arith.constant 0 : i32
    %dma_wait3A_112 = tpu.memref_slice %arg7[%dma_wait3A_111] : memref<5120000xf32, #tpu.memory_space<hbm>> -> memref<2048xf32, #tpu.memory_space<hbm>>
    %dma_wait3A_113 = arith.constant 0 : i32
    %dma_wait3A_114 = tpu.memref_slice %arg7[%dma_wait3A_113] : memref<5120000xf32, #tpu.memory_space<hbm>> -> memref<2048xf32, #tpu.memory_space<hbm>>
    tpu.wait_dma2 semaphore(%arg29 : memref<!tpu.dma_semaphore, #tpu.memory_space<semaphore_mem>>) src(%arg20 : memref<2048xf32, #tpu.memory_space<vmem>>) dst(%dma_wait3A_114 : memref<2048xf32, #tpu.memory_space<hbm>>)
    %dma_wait3A_115 = arith.constant 0 : i32
    %dma_wait3A_116 = arith.constant 0 : i32
    %dma_wait3A_117 = tpu.memref_slice %arg2[%dma_wait3A_115, %dma_wait3A_116] : memref<10000x16xf32, #tpu.memory_space<hbm>> -> memref<10000x16xf32, #tpu.memory_space<hbm>>
    tpu.wait_indirect_dma semaphore(%arg27 : memref<!tpu.dma_semaphore, #tpu.memory_space<semaphore_mem>>) src(%dma_wait3A_117 : memref<10000x16xf32, #tpu.memory_space<hbm>>) dst(%arg16 : memref<128x16xf32, #tpu.memory_space<vmem>>)
    %dma_wait3A_118 = arith.constant 0 : i32
    %dma_wait3A_119 = arith.constant 0 : i32
    %dma_wait3A_120 = tpu.memref_slice %arg3[%dma_wait3A_118, %dma_wait3A_119] : memref<10000x16xf32, #tpu.memory_space<hbm>> -> memref<10000x16xf32, #tpu.memory_space<hbm>>
    tpu.wait_indirect_dma semaphore(%arg27 : memref<!tpu.dma_semaphore, #tpu.memory_space<semaphore_mem>>) src(%dma_wait3A_120 : memref<10000x16xf32, #tpu.memory_space<hbm>>) dst(%arg18 : memref<128x16xf32, #tpu.memory_space<vmem>>)
    %scan3A_121 = arith.constant 0 : i32
    %scan3A_122 = arith.constant 128 : i32
    %scan3A_123 = arith.addi %scan3A_121, %scan3A_122 : i32
    %scan3A_124 = arith.constant 1 : i32
    %scan3A_125:2 = scf.for %scan3A_151 = %scan3A_121 to %scan3A_123 step %scan3A_124 iter_args(%scan3A_152 = %scan3A_56#0, %scan3A_153 = %scan3A_56#1) -> (vector<16xf32>, vector<16xf32>)  : i32 {
      %get3A = arith.index_cast %scan3A_151 : i32 to index
      %get3A_154 = arith.constant 0 : index
      %get3A_155 = tpu.vector_load %arg16[%get3A, %get3A_154] {strides = array<i32>} : memref<128x16xf32, #tpu.memory_space<vmem>>, vector<16xf32>,
      %get3A_156 = arith.index_cast %scan3A_151 : i32 to index
      %get3A_157 = arith.constant 0 : index
      %get3A_158 = tpu.vector_load %arg18[%get3A_156, %get3A_157] {strides = array<i32>} : memref<128x16xf32, #tpu.memory_space<vmem>>, vector<16xf32>,
      %add3A_159 = arith.addf %get3A_155, %get3A_158 : vector<16xf32>
      %mul3A_160 = arith.constant 16 : i32
      %mul3A_161 = arith.muli %scan3A_151, %mul3A_160 : i32
      %get3A_162 = arith.index_cast %mul3A_161 : i32 to index
      %get3A_163 = tpu.vector_load %arg14[%get3A_162] {strides = array<i32>} : memref<2048xf32, #tpu.memory_space<vmem>>, vector<16xf32>,
      %add3A_164 = arith.addf %add3A_159, %get3A_163 : vector<16xf32>
      %mul3A_165 = arith.constant 16 : i32
      %mul3A_166 = arith.muli %scan3A_151, %mul3A_165 : i32
      %swap3A_167 = arith.index_cast %mul3A_166 : i32 to index
      %swap3A_168 = tpu.vector_load %arg20[%swap3A_167] {strides = array<i32>} : memref<2048xf32, #tpu.memory_space<vmem>>, vector<16xf32>,
      tpu.vector_store %arg20[%swap3A_167], %add3A_164 {strides = array<i32>} : memref<2048xf32, #tpu.memory_space<vmem>>, vector<16xf32>,
      %mul3A_169 = vector.broadcast %select_n3A : f32 to vector<16xf32>
      %mul3A_170 = arith.mulf %add3A_164, %mul3A_169 : vector<16xf32>
      %add3A_171 = arith.addf %scan3A_152, %mul3A_170 : vector<16xf32>
      %mul3A_172 = arith.mulf %mul3A_170, %add3A_164 : vector<16xf32>
      %add3A_173 = arith.addf %scan3A_153, %mul3A_172 : vector<16xf32>
      scf.yield %add3A_171, %add3A_173 : vector<16xf32>, vector<16xf32>
    }
    %scan3A_126 = arith.constant 128 : i32
    %mul3A_127 = arith.constant 2048 : i32
    %mul3A_128 = arith.muli %add3A_50, %mul3A_127 : i32
    %dma_start3A_129 = tpu.memref_slice %arg7[%mul3A_128] : memref<5120000xf32, #tpu.memory_space<hbm>> -> memref<2048xf32, #tpu.memory_space<hbm>>
    %dma_start3A_130 = tpu.memref_slice %arg7[%mul3A_128] : memref<5120000xf32, #tpu.memory_space<hbm>> -> memref<2048xf32, #tpu.memory_space<hbm>>
    tpu.enqueue_dma source(%arg20 : memref<2048xf32, #tpu.memory_space<vmem>>) target(%dma_start3A_130 : memref<2048xf32, #tpu.memory_space<hbm>>) target_semaphore(%arg29 : memref<!tpu.dma_semaphore, #tpu.memory_space<semaphore_mem>>)
    %dma_wait3A_131 = arith.constant 0 : i32
    %dma_wait3A_132 = tpu.memref_slice %arg7[%dma_wait3A_131] : memref<5120000xf32, #tpu.memory_space<hbm>> -> memref<2048xf32, #tpu.memory_space<hbm>>
    %dma_wait3A_133 = arith.constant 0 : i32
    %dma_wait3A_134 = tpu.memref_slice %arg7[%dma_wait3A_133] : memref<5120000xf32, #tpu.memory_space<hbm>> -> memref<2048xf32, #tpu.memory_space<hbm>>
    tpu.wait_dma2 semaphore(%arg29 : memref<!tpu.dma_semaphore, #tpu.memory_space<semaphore_mem>>) src(%arg20 : memref<2048xf32, #tpu.memory_space<vmem>>) dst(%dma_wait3A_134 : memref<2048xf32, #tpu.memory_space<hbm>>)
    %dma_wait3A_135 = arith.constant 0 : i32
    %dma_wait3A_136 = tpu.memref_slice %arg24[%dma_wait3A_135] : memref<10000xf32, #tpu.memory_space<vmem_shared>> -> memref<10000xf32, #tpu.memory_space<vmem_shared>>
    tpu.wait_indirect_dma semaphore(%arg31 : memref<!tpu.dma_semaphore, #tpu.memory_space<semaphore_mem>>) src(%arg22 : memref<128xf32, #tpu.memory_space<vmem>>) dst(%dma_wait3A_136 : memref<10000xf32, #tpu.memory_space<vmem_shared>>)
    %dma_wait3A_137 = arith.constant 0 : i32
    %dma_wait3A_138 = tpu.memref_slice %arg7[%dma_wait3A_137] : memref<5120000xf32, #tpu.memory_space<hbm>> -> memref<2048xf32, #tpu.memory_space<hbm>>
    %dma_wait3A_139 = arith.constant 0 : i32
    %dma_wait3A_140 = tpu.memref_slice %arg7[%dma_wait3A_139] : memref<5120000xf32, #tpu.memory_space<hbm>> -> memref<2048xf32, #tpu.memory_space<hbm>>
    tpu.wait_dma2 semaphore(%arg30 : memref<!tpu.dma_semaphore, #tpu.memory_space<semaphore_mem>>) src(%arg21 : memref<2048xf32, #tpu.memory_space<vmem>>) dst(%dma_wait3A_140 : memref<2048xf32, #tpu.memory_space<hbm>>)
    %swap3A_141 = arith.constant 0 : index
    %swap3A_142 = tpu.vector_load %arg23[%swap3A_141] {strides = array<i32>} : memref<32xf32, #tpu.memory_space<vmem>>, vector<16xf32>,
    tpu.vector_store %arg23[%swap3A_141], %scan3A_125#0 {strides = array<i32>} : memref<32xf32, #tpu.memory_space<vmem>>, vector<16xf32>,
    %swap3A_143 = arith.constant 16 : index
    %swap3A_144 = tpu.vector_load %arg23[%swap3A_143] {strides = array<i32>} : memref<32xf32, #tpu.memory_space<vmem>>, vector<16xf32>,
    tpu.vector_store %arg23[%swap3A_143], %scan3A_125#1 {strides = array<i32>} : memref<32xf32, #tpu.memory_space<vmem>>, vector<16xf32>,
    "tpu.region"() ({
      %run_scoped3A = tpu.sem_alloc : memref<!tpu.dma_semaphore, #tpu.memory_space<semaphore_mem>>
      %dma_start3A_151 = arith.constant 0 : i32
      %dma_start3A_152 = tpu.memref_slice %arg8[%add3A, %dma_start3A_151] : memref<32x32xf32, #tpu.memory_space<hbm>> -> memref<1x32xf32, #tpu.memory_space<hbm>>
      %dma_start3A_153 = tpu.memref_squeeze %dma_start3A_152 : memref<1x32xf32, #tpu.memory_space<hbm>> -> memref<32xf32, #tpu.memory_space<hbm>>
      %dma_start3A_154 = arith.constant 0 : i32
      %dma_start3A_155 = tpu.memref_slice %arg8[%add3A, %dma_start3A_154] : memref<32x32xf32, #tpu.memory_space<hbm>> -> memref<1x32xf32, #tpu.memory_space<hbm>>
      %dma_start3A_156 = tpu.memref_squeeze %dma_start3A_155 : memref<1x32xf32, #tpu.memory_space<hbm>> -> memref<32xf32, #tpu.memory_space<hbm>>
      tpu.enqueue_dma source(%arg23 : memref<32xf32, #tpu.memory_space<vmem>>) target(%dma_start3A_156 : memref<32xf32, #tpu.memory_space<hbm>>) target_semaphore(%run_scoped3A : memref<!tpu.dma_semaphore, #tpu.memory_space<semaphore_mem>>)
      %dma_wait3A_157 = arith.constant 0 : i32
      %dma_wait3A_158 = tpu.memref_slice %arg8[%add3A, %dma_wait3A_157] : memref<32x32xf32, #tpu.memory_space<hbm>> -> memref<1x32xf32, #tpu.memory_space<hbm>>
      %dma_wait3A_159 = tpu.memref_squeeze %dma_wait3A_158 : memref<1x32xf32, #tpu.memory_space<hbm>> -> memref<32xf32, #tpu.memory_space<hbm>>
      %dma_wait3A_160 = arith.constant 0 : i32
      %dma_wait3A_161 = tpu.memref_slice %arg8[%add3A, %dma_wait3A_160] : memref<32x32xf32, #tpu.memory_space<hbm>> -> memref<1x32xf32, #tpu.memory_space<hbm>>
      %dma_wait3A_162 = tpu.memref_squeeze %dma_wait3A_161 : memref<1x32xf32, #tpu.memory_space<hbm>> -> memref<32xf32, #tpu.memory_space<hbm>>
      tpu.wait_dma2 semaphore(%run_scoped3A : memref<!tpu.dma_semaphore, #tpu.memory_space<semaphore_mem>>) src(%arg23 : memref<32xf32, #tpu.memory_space<vmem>>) dst(%dma_wait3A_162 : memref<32xf32, #tpu.memory_space<hbm>>)
      tpu.yield
    }) : () -> ()
    %barrier3A_145 = arith.constant 0 : index
    tpu.barrier barrier_id(%barrier3A_145)
    %eq3A_146 = arith.constant 0 : i32
    %eq3A_147 = arith.cmpi eq, %arg1, %eq3A_146 : i32
    %convert_element_type3A_148 = arith.extui %eq3A_147 : i1 to i32
    %cond3A_149 = arith.constant 0 : i32
    %cond3A_150 = arith.cmpi ne, %convert_element_type3A_148, %cond3A_149 : i32
    scf.if %cond3A_150 {
      "tpu.region"() ({
        %run_scoped3A = tpu.sem_alloc : memref<!tpu.dma_semaphore, #tpu.memory_space<semaphore_mem>>
        %dma_start3A_151 = arith.constant 0 : i32
        %dma_start3A_152 = tpu.memref_slice %arg9[%arg0, %dma_start3A_151] : memref<2x10000xf32, #tpu.memory_space<hbm>> -> memref<1x10000xf32, #tpu.memory_space<hbm>>
        %dma_start3A_153 = tpu.memref_squeeze %dma_start3A_152 : memref<1x10000xf32, #tpu.memory_space<hbm>> -> memref<10000xf32, #tpu.memory_space<hbm>>
        tpu.enqueue_dma source(%arg24 : memref<10000xf32, #tpu.memory_space<vmem_shared>>) target(%dma_start3A_153 : memref<10000xf32, #tpu.memory_space<hbm>>) target_semaphore(%run_scoped3A : memref<!tpu.dma_semaphore, #tpu.memory_space<semaphore_mem>>)
        %dma_wait3A_154 = arith.constant 0 : i32
        %dma_wait3A_155 = tpu.memref_slice %arg9[%arg0, %dma_wait3A_154] : memref<2x10000xf32, #tpu.memory_space<hbm>> -> memref<1x10000xf32, #tpu.memory_space<hbm>>
        %dma_wait3A_156 = tpu.memref_squeeze %dma_wait3A_155 : memref<1x10000xf32, #tpu.memory_space<hbm>> -> memref<10000xf32, #tpu.memory_space<hbm>>
        tpu.wait_dma2 semaphore(%run_scoped3A : memref<!tpu.dma_semaphore, #tpu.memory_space<semaphore_mem>>) src(%arg24 : memref<10000xf32, #tpu.memory_space<vmem_shared>>) dst(%dma_wait3A_156 : memref<10000xf32, #tpu.memory_space<hbm>>)
        tpu.yield
      }) : () -> ()
    } else {
    }
    return
  }
}

module attributes {stable_mosaic.version = 14 : i64} {
  func.func @_nodeproj_body(%arg0: memref<10000x128xf32, #tpu.memory_space<vmem>>, %arg1: memref<128x16xf32, #tpu.memory_space<vmem>>, %arg2: memref<128x16xf32, #tpu.memory_space<vmem>>, %arg3: memref<10000x16xf32, #tpu.memory_space<vmem>>, %arg4: memref<10000x16xf32, #tpu.memory_space<vmem>>) attributes {dimension_semantics = [], scalar_prefetch = 0 : i64, scratch_operands = 0 : i64, tpu.core_type = #tpu.core_type<tc>} {
    %get3A = arith.constant 0 : index
    %get3A_0 = arith.constant 0 : index
    %get3A_1 = vector.load %arg0[%get3A, %get3A_0] : memref<10000x128xf32, #tpu.memory_space<vmem>>, vector<10000x128xf32>
    %get3A_2 = arith.constant 0 : index
    %get3A_3 = arith.constant 0 : index
    %get3A_4 = vector.load %arg1[%get3A_2, %get3A_3] : memref<128x16xf32, #tpu.memory_space<vmem>>, vector<128x16xf32>
    %dot_general3A = arith.constant dense<0.000000e+00> : vector<10000x16xf32>
    %dot_general3A_5 = tpu.matmul %get3A_1, %get3A_4, %dot_general3A {dimension_numbers = #tpu.dot_dimension_numbers<[1], [0], [0], [1], [0, 0, 1, 1], [], []>, transpose_lhs_hint = false} : vector<10000x128xf32>, vector<128x16xf32>, vector<10000x16xf32> -> vector<10000x16xf32>
    %swap3A = arith.constant 0 : index
    %swap3A_6 = arith.constant 0 : index
    %swap3A_7 = vector.load %arg3[%swap3A, %swap3A_6] : memref<10000x16xf32, #tpu.memory_space<vmem>>, vector<10000x16xf32>
    tpu.vector_store %arg3[%swap3A, %swap3A_6], %dot_general3A_5 {strides = array<i32>} : memref<10000x16xf32, #tpu.memory_space<vmem>>, vector<10000x16xf32>,
    %get3A_8 = arith.constant 0 : index
    %get3A_9 = arith.constant 0 : index
    %get3A_10 = vector.load %arg2[%get3A_8, %get3A_9] : memref<128x16xf32, #tpu.memory_space<vmem>>, vector<128x16xf32>
    %dot_general3A_11 = arith.constant dense<0.000000e+00> : vector<10000x16xf32>
    %dot_general3A_12 = tpu.matmul %get3A_1, %get3A_10, %dot_general3A_11 {dimension_numbers = #tpu.dot_dimension_numbers<[1], [0], [0], [1], [0, 0, 1, 1], [], []>, transpose_lhs_hint = false} : vector<10000x128xf32>, vector<128x16xf32>, vector<10000x16xf32> -> vector<10000x16xf32>
    %swap3A_13 = arith.constant 0 : index
    %swap3A_14 = arith.constant 0 : index
    %swap3A_15 = vector.load %arg4[%swap3A_13, %swap3A_14] : memref<10000x16xf32, #tpu.memory_space<vmem>>, vector<10000x16xf32>
    tpu.vector_store %arg4[%swap3A_13, %swap3A_14], %dot_general3A_12 {strides = array<i32>} : memref<10000x16xf32, #tpu.memory_space<vmem>>, vector<10000x16xf32>,
    return
  }
}

module attributes {stable_mosaic.version = 14 : i64} {
  func.func @_ew_body(%arg0: i32, %arg1: memref<4000x128xf32, #tpu.memory_space<vmem>>, %arg2: memref<128x128xf32, #tpu.memory_space<vmem>>, %arg3: memref<1x128xf32, #tpu.memory_space<vmem>>, %arg4: memref<4000x128xf32, #tpu.memory_space<vmem>>) attributes {dimension_semantics = [#tpu.dimension_semantics<arbitrary>], iteration_bounds = array<i64: 10>, scalar_prefetch = 0 : i64, scratch_operands = 0 : i64, tpu.core_type = #tpu.core_type<tc>, window_params = [{transform_indices = @transform_0, window_bounds = array<i64: 4000, 128>}, {pipeline_mode = #tpu.pipeline_mode<synchronous>, transform_indices = @transform_1, window_bounds = array<i64: 128, 128>}, {pipeline_mode = #tpu.pipeline_mode<synchronous>, transform_indices = @transform_2, window_bounds = array<i64: 1, 128>}, {transform_indices = @transform_3, window_bounds = array<i64: 4000, 128>}]} {
    %get3A = arith.constant 0 : index
    %get3A_0 = arith.constant 0 : index
    %get3A_1 = vector.load %arg1[%get3A, %get3A_0] : memref<4000x128xf32, #tpu.memory_space<vmem>>, vector<4000x128xf32>
    %get3A_2 = arith.constant 0 : index
    %get3A_3 = arith.constant 0 : index
    %get3A_4 = vector.load %arg2[%get3A_2, %get3A_3] : memref<128x128xf32, #tpu.memory_space<vmem>>, vector<128x128xf32>
    %dot_general3A = arith.constant dense<0.000000e+00> : vector<4000x128xf32>
    %dot_general3A_5 = tpu.matmul %get3A_1, %get3A_4, %dot_general3A {dimension_numbers = #tpu.dot_dimension_numbers<[1], [0], [0], [1], [0, 0, 1, 1], [], []>, transpose_lhs_hint = false} : vector<4000x128xf32>, vector<128x128xf32>, vector<4000x128xf32> -> vector<4000x128xf32>
    %get3A_6 = arith.constant 0 : index
    %get3A_7 = arith.constant 0 : index
    %get3A_8 = vector.load %arg3[%get3A_6, %get3A_7] : memref<1x128xf32, #tpu.memory_space<vmem>>, vector<1x128xf32>
    %add3A = vector.broadcast %get3A_8 : vector<1x128xf32> to vector<4000x128xf32>
    %add3A_9 = arith.addf %dot_general3A_5, %add3A : vector<4000x128xf32>
    %swap3A = arith.constant 0 : index
    %swap3A_10 = arith.constant 0 : index
    %swap3A_11 = vector.load %arg4[%swap3A, %swap3A_10] : memref<4000x128xf32, #tpu.memory_space<vmem>>, vector<4000x128xf32>
    tpu.vector_store %arg4[%swap3A, %swap3A_10], %add3A_9 {strides = array<i32>} : memref<4000x128xf32, #tpu.memory_space<vmem>>, vector<4000x128xf32>,
    return
  }
  func.func @transform_0(%arg0: i32) -> (i32, i32) {
    %c0_i32 = arith.constant 0 : i32
    %c0_i32_0 = arith.constant 0 : i32
    return %arg0, %c0_i32 : i32, i32
  }
  func.func @transform_1(%arg0: i32) -> (i32, i32) {
    %c0_i32 = arith.constant 0 : i32
    %c0_i32_0 = arith.constant 0 : i32
    %c0_i32_1 = arith.constant 0 : i32
    return %c0_i32, %c0_i32_0 : i32, i32
  }
  func.func @transform_2(%arg0: i32) -> (i32, i32) {
    %c0_i32 = arith.constant 0 : i32
    %c0_i32_0 = arith.constant 0 : i32
    %c0_i32_1 = arith.constant 0 : i32
    return %c0_i32, %c0_i32_0 : i32, i32
  }
  func.func @transform_3(%arg0: i32) -> (i32, i32) {
    %c0_i32 = arith.constant 0 : i32
    %c0_i32_0 = arith.constant 0 : i32
    return %arg0, %c0_i32 : i32, i32
  }
}

module attributes {stable_mosaic.version = 14 : i64} {
  func.func @_e2_body(%arg0: i32, %arg1: memref<32x32xf32, #tpu.memory_space<vmem>>, %arg2: memref<1x128xf32, #tpu.memory_space<vmem>>, %arg3: memref<1x128xf32, #tpu.memory_space<vmem>>, %arg4: memref<4000x128xf32, #tpu.memory_space<vmem>>, %arg5: memref<4000x128xf32, #tpu.memory_space<vmem>>, %arg6: memref<4000x128xf32, #tpu.memory_space<vmem>>) attributes {dimension_semantics = [#tpu.dimension_semantics<arbitrary>], iteration_bounds = array<i64: 10>, scalar_prefetch = 0 : i64, scratch_operands = 0 : i64, tpu.core_type = #tpu.core_type<tc>, window_params = [{pipeline_mode = #tpu.pipeline_mode<synchronous>, transform_indices = @transform_0, window_bounds = array<i64: 32, 32>}, {pipeline_mode = #tpu.pipeline_mode<synchronous>, transform_indices = @transform_1, window_bounds = array<i64: 1, 128>}, {pipeline_mode = #tpu.pipeline_mode<synchronous>, transform_indices = @transform_2, window_bounds = array<i64: 1, 128>}, {transform_indices = @transform_3, window_bounds = array<i64: 4000, 128>}, {transform_indices = @transform_4, window_bounds = array<i64: 4000, 128>}, {transform_indices = @transform_5, window_bounds = array<i64: 4000, 128>}]} {
    %get3A = arith.constant 0 : index
    %get3A_0 = arith.constant 0 : index
    %get3A_1 = vector.load %arg1[%get3A, %get3A_0] : memref<32x32xf32, #tpu.memory_space<vmem>>, vector<32x32xf32>
    %reduce_sum3A = arith.constant dense<0.000000e+00> : vector<32xf32>
    %reduce_sum3A_2 = vector.multi_reduction <add>, %get3A_1, %reduce_sum3A [0] : vector<32x32xf32> to vector<32xf32>
    %broadcast_in_dim3A = vector.shape_cast %reduce_sum3A_2 : vector<32xf32> to vector<1x32xf32>
    %slice3A = vector.extract_strided_slice %broadcast_in_dim3A {offsets = [0, 0], sizes = [1, 16], strides = [1, 1]} : vector<1x32xf32> to vector<1x16xf32>
    %mul3A = arith.constant 3.125000e-06 : f32
    %mul3A_3 = vector.broadcast %mul3A : f32 to vector<1x16xf32>
    %mul3A_4 = arith.mulf %slice3A, %mul3A_3 : vector<1x16xf32>
    %slice3A_5 = vector.extract_strided_slice %broadcast_in_dim3A {offsets = [0, 16], sizes = [1, 16], strides = [1, 1]} : vector<1x32xf32> to vector<1x16xf32>
    %mul3A_6 = arith.constant 3.125000e-06 : f32
    %mul3A_7 = vector.broadcast %mul3A_6 : f32 to vector<1x16xf32>
    %mul3A_8 = arith.mulf %slice3A_5, %mul3A_7 : vector<1x16xf32>
    %mul3A_9 = arith.mulf %mul3A_4, %mul3A_4 : vector<1x16xf32>
    %sub3A = arith.subf %mul3A_8, %mul3A_9 : vector<1x16xf32>
    %add3A = arith.constant 9.99999974E-6 : f32
    %add3A_10 = vector.broadcast %add3A : f32 to vector<1x16xf32>
    %add3A_11 = arith.addf %sub3A, %add3A_10 : vector<1x16xf32>
    %rsqrt3A = math.rsqrt %add3A_11 : vector<1x16xf32>
    %concatenate3A = tpu.concatenate %mul3A_4, %mul3A_4, %mul3A_4, %mul3A_4, %mul3A_4, %mul3A_4, %mul3A_4, %mul3A_4 in 1 : vector<1x16xf32>, vector<1x16xf32>, vector<1x16xf32>, vector<1x16xf32>, vector<1x16xf32>, vector<1x16xf32>, vector<1x16xf32>, vector<1x16xf32> -> vector<1x128xf32>
    %concatenate3A_12 = tpu.concatenate %rsqrt3A, %rsqrt3A, %rsqrt3A, %rsqrt3A, %rsqrt3A, %rsqrt3A, %rsqrt3A, %rsqrt3A in 1 : vector<1x16xf32>, vector<1x16xf32>, vector<1x16xf32>, vector<1x16xf32>, vector<1x16xf32>, vector<1x16xf32>, vector<1x16xf32>, vector<1x16xf32> -> vector<1x128xf32>
    %get3A_13 = arith.constant 0 : index
    %get3A_14 = arith.constant 0 : index
    %get3A_15 = vector.load %arg4[%get3A_13, %get3A_14] : memref<4000x128xf32, #tpu.memory_space<vmem>>, vector<4000x128xf32>
    %sub3A_16 = vector.broadcast %concatenate3A : vector<1x128xf32> to vector<4000x128xf32>
    %sub3A_17 = arith.subf %get3A_15, %sub3A_16 : vector<4000x128xf32>
    %mul3A_18 = vector.broadcast %concatenate3A_12 : vector<1x128xf32> to vector<4000x128xf32>
    %mul3A_19 = arith.mulf %sub3A_17, %mul3A_18 : vector<4000x128xf32>
    %get3A_20 = arith.constant 0 : index
    %get3A_21 = arith.constant 0 : index
    %get3A_22 = vector.load %arg2[%get3A_20, %get3A_21] : memref<1x128xf32, #tpu.memory_space<vmem>>, vector<1x128xf32>
    %mul3A_23 = vector.broadcast %get3A_22 : vector<1x128xf32> to vector<4000x128xf32>
    %mul3A_24 = arith.mulf %mul3A_19, %mul3A_23 : vector<4000x128xf32>
    %get3A_25 = arith.constant 0 : index
    %get3A_26 = arith.constant 0 : index
    %get3A_27 = vector.load %arg3[%get3A_25, %get3A_26] : memref<1x128xf32, #tpu.memory_space<vmem>>, vector<1x128xf32>
    %add3A_28 = vector.broadcast %get3A_27 : vector<1x128xf32> to vector<4000x128xf32>
    %add3A_29 = arith.addf %mul3A_24, %add3A_28 : vector<4000x128xf32>
    %get3A_30 = arith.constant 0 : index
    %get3A_31 = arith.constant 0 : index
    %get3A_32 = vector.load %arg5[%get3A_30, %get3A_31] : memref<4000x128xf32, #tpu.memory_space<vmem>>, vector<4000x128xf32>
    %logistic3A = arith.negf %add3A_29 : vector<4000x128xf32>
    %logistic3A_33 = math.exp %logistic3A : vector<4000x128xf32>
    %logistic3A_34 = arith.constant 1.000000e+00 : f32
    %logistic3A_35 = vector.broadcast %logistic3A_34 : f32 to vector<4000x128xf32>
    %logistic3A_36 = arith.addf %logistic3A_35, %logistic3A_33 : vector<4000x128xf32>
    %logistic3A_37 = arith.divf %logistic3A_35, %logistic3A_36 : vector<4000x128xf32>
    %mul3A_38 = arith.mulf %add3A_29, %logistic3A_37 : vector<4000x128xf32>
    %add3A_39 = arith.addf %get3A_32, %mul3A_38 : vector<4000x128xf32>
    %swap3A = arith.constant 0 : index
    %swap3A_40 = arith.constant 0 : index
    %swap3A_41 = vector.load %arg6[%swap3A, %swap3A_40] : memref<4000x128xf32, #tpu.memory_space<vmem>>, vector<4000x128xf32>
    tpu.vector_store %arg6[%swap3A, %swap3A_40], %add3A_39 {strides = array<i32>} : memref<4000x128xf32, #tpu.memory_space<vmem>>, vector<4000x128xf32>,
    return
  }
  func.func @transform_0(%arg0: i32) -> (i32, i32) {
    %c0_i32 = arith.constant 0 : i32
    %c0_i32_0 = arith.constant 0 : i32
    %c0_i32_1 = arith.constant 0 : i32
    return %c0_i32, %c0_i32_0 : i32, i32
  }
  func.func @transform_1(%arg0: i32) -> (i32, i32) {
    %c0_i32 = arith.constant 0 : i32
    %c0_i32_0 = arith.constant 0 : i32
    %c0_i32_1 = arith.constant 0 : i32
    return %c0_i32, %c0_i32_0 : i32, i32
  }
  func.func @transform_2(%arg0: i32) -> (i32, i32) {
    %c0_i32 = arith.constant 0 : i32
    %c0_i32_0 = arith.constant 0 : i32
    %c0_i32_1 = arith.constant 0 : i32
    return %c0_i32, %c0_i32_0 : i32, i32
  }
  func.func @transform_3(%arg0: i32) -> (i32, i32) {
    %c0_i32 = arith.constant 0 : i32
    %c0_i32_0 = arith.constant 0 : i32
    return %arg0, %c0_i32 : i32, i32
  }
  func.func @transform_4(%arg0: i32) -> (i32, i32) {
    %c0_i32 = arith.constant 0 : i32
    %c0_i32_0 = arith.constant 0 : i32
    return %arg0, %c0_i32 : i32, i32
  }
  func.func @transform_5(%arg0: i32) -> (i32, i32) {
    %c0_i32 = arith.constant 0 : i32
    %c0_i32_0 = arith.constant 0 : i32
    return %arg0, %c0_i32 : i32, i32
  }
}

module attributes {stable_mosaic.version = 14 : i64} {
  func.func @_node_body(%arg0: memref<10000x128xf32, #tpu.memory_space<vmem>>, %arg1: memref<128x128xf32, #tpu.memory_space<vmem>>, %arg2: memref<1x128xf32, #tpu.memory_space<vmem>>, %arg3: memref<128x128xf32, #tpu.memory_space<vmem>>, %arg4: memref<1x128xf32, #tpu.memory_space<vmem>>, %arg5: memref<10000x1xf32, #tpu.memory_space<vmem>>, %arg6: memref<10000x1xf32, #tpu.memory_space<vmem>>, %arg7: memref<1x128xf32, #tpu.memory_space<vmem>>, %arg8: memref<1x128xf32, #tpu.memory_space<vmem>>, %arg9: memref<128x128xf32, #tpu.memory_space<vmem>>, %arg10: memref<1x128xf32, #tpu.memory_space<vmem>>, %arg11: memref<10000x128xf32, #tpu.memory_space<vmem>>) attributes {dimension_semantics = [], scalar_prefetch = 0 : i64, scratch_operands = 0 : i64, tpu.core_type = #tpu.core_type<tc>} {
    %get3A = arith.constant 0 : index
    %get3A_0 = arith.constant 0 : index
    %get3A_1 = vector.load %arg0[%get3A, %get3A_0] : memref<10000x128xf32, #tpu.memory_space<vmem>>, vector<10000x128xf32>
    %get3A_2 = arith.constant 0 : index
    %get3A_3 = arith.constant 0 : index
    %get3A_4 = vector.load %arg5[%get3A_2, %get3A_3] : memref<10000x1xf32, #tpu.memory_space<vmem>>, vector<10000x1xf32>
    %get3A_5 = arith.constant 0 : index
    %get3A_6 = arith.constant 0 : index
    %get3A_7 = vector.load %arg6[%get3A_5, %get3A_6] : memref<10000x1xf32, #tpu.memory_space<vmem>>, vector<10000x1xf32>
    %add3A = arith.addf %get3A_4, %get3A_7 : vector<10000x1xf32>
    %gt3A = arith.constant 0.000000e+00 : f32
    %gt3A_8 = vector.broadcast %gt3A : f32 to vector<10000x1xf32>
    %gt3A_9 = arith.cmpf ogt, %add3A, %gt3A_8 : vector<10000x1xf32>
    %convert_element_type3A = arith.extui %gt3A_9 : vector<10000x1xi1> to vector<10000x1xi32>
    %convert_element_type3A_10 = arith.sitofp %convert_element_type3A : vector<10000x1xi32> to vector<10000x1xf32>
    %get3A_11 = arith.constant 0 : index
    %get3A_12 = arith.constant 0 : index
    %get3A_13 = vector.load %arg1[%get3A_11, %get3A_12] : memref<128x128xf32, #tpu.memory_space<vmem>>, vector<128x128xf32>
    %dot_general3A = arith.constant dense<0.000000e+00> : vector<10000x128xf32>
    %dot_general3A_14 = tpu.matmul %get3A_1, %get3A_13, %dot_general3A {dimension_numbers = #tpu.dot_dimension_numbers<[1], [0], [0], [1], [0, 0, 1, 1], [], []>, transpose_lhs_hint = false} : vector<10000x128xf32>, vector<128x128xf32>, vector<10000x128xf32> -> vector<10000x128xf32>
    %get3A_15 = arith.constant 0 : index
    %get3A_16 = arith.constant 0 : index
    %get3A_17 = vector.load %arg2[%get3A_15, %get3A_16] : memref<1x128xf32, #tpu.memory_space<vmem>>, vector<1x128xf32>
    %add3A_18 = vector.broadcast %get3A_17 : vector<1x128xf32> to vector<10000x128xf32>
    %add3A_19 = arith.addf %dot_general3A_14, %add3A_18 : vector<10000x128xf32>
    %get3A_20 = arith.constant 0 : index
    %get3A_21 = arith.constant 0 : index
    %get3A_22 = vector.load %arg3[%get3A_20, %get3A_21] : memref<128x128xf32, #tpu.memory_space<vmem>>, vector<128x128xf32>
    %dot_general3A_23 = arith.constant dense<0.000000e+00> : vector<10000x128xf32>
    %dot_general3A_24 = tpu.matmul %get3A_1, %get3A_22, %dot_general3A_23 {dimension_numbers = #tpu.dot_dimension_numbers<[1], [0], [0], [1], [0, 0, 1, 1], [], []>, transpose_lhs_hint = false} : vector<10000x128xf32>, vector<128x128xf32>, vector<10000x128xf32> -> vector<10000x128xf32>
    %get3A_25 = arith.constant 0 : index
    %get3A_26 = arith.constant 0 : index
    %get3A_27 = vector.load %arg4[%get3A_25, %get3A_26] : memref<1x128xf32, #tpu.memory_space<vmem>>, vector<1x128xf32>
    %add3A_28 = vector.broadcast %get3A_27 : vector<1x128xf32> to vector<10000x128xf32>
    %add3A_29 = arith.addf %dot_general3A_24, %add3A_28 : vector<10000x128xf32>
    %mul3A = vector.broadcast %convert_element_type3A_10 : vector<10000x1xf32> to vector<10000x128xf32>
    %mul3A_30 = arith.mulf %add3A_19, %mul3A : vector<10000x128xf32>
    %add3A_31 = arith.addf %add3A_29, %mul3A_30 : vector<10000x128xf32>
    %reduce_sum3A = arith.constant dense<0.000000e+00> : vector<128xf32>
    %reduce_sum3A_32 = vector.multi_reduction <add>, %add3A_31, %reduce_sum3A [0] : vector<10000x128xf32> to vector<128xf32>
    %broadcast_in_dim3A = vector.shape_cast %reduce_sum3A_32 : vector<128xf32> to vector<1x128xf32>
    %div3A = arith.constant 1.000000e+04 : f32
    %div3A_33 = vector.broadcast %div3A : f32 to vector<1x128xf32>
    %div3A_34 = arith.divf %broadcast_in_dim3A, %div3A_33 : vector<1x128xf32>
    %sub3A = vector.broadcast %div3A_34 : vector<1x128xf32> to vector<10000x128xf32>
    %sub3A_35 = arith.subf %add3A_31, %sub3A : vector<10000x128xf32>
    %mul3A_36 = arith.mulf %sub3A_35, %sub3A_35 : vector<10000x128xf32>
    %reduce_sum3A_37 = arith.constant dense<0.000000e+00> : vector<128xf32>
    %reduce_sum3A_38 = vector.multi_reduction <add>, %mul3A_36, %reduce_sum3A_37 [0] : vector<10000x128xf32> to vector<128xf32>
    %broadcast_in_dim3A_39 = vector.shape_cast %reduce_sum3A_38 : vector<128xf32> to vector<1x128xf32>
    %div3A_40 = arith.constant 1.000000e+04 : f32
    %div3A_41 = vector.broadcast %div3A_40 : f32 to vector<1x128xf32>
    %div3A_42 = arith.divf %broadcast_in_dim3A_39, %div3A_41 : vector<1x128xf32>
    %add3A_43 = arith.constant 9.99999974E-6 : f32
    %add3A_44 = vector.broadcast %add3A_43 : f32 to vector<1x128xf32>
    %add3A_45 = arith.addf %div3A_42, %add3A_44 : vector<1x128xf32>
    %rsqrt3A = math.rsqrt %add3A_45 : vector<1x128xf32>
    %mul3A_46 = vector.broadcast %rsqrt3A : vector<1x128xf32> to vector<10000x128xf32>
    %mul3A_47 = arith.mulf %sub3A_35, %mul3A_46 : vector<10000x128xf32>
    %get3A_48 = arith.constant 0 : index
    %get3A_49 = arith.constant 0 : index
    %get3A_50 = vector.load %arg7[%get3A_48, %get3A_49] : memref<1x128xf32, #tpu.memory_space<vmem>>, vector<1x128xf32>
    %mul3A_51 = vector.broadcast %get3A_50 : vector<1x128xf32> to vector<10000x128xf32>
    %mul3A_52 = arith.mulf %mul3A_47, %mul3A_51 : vector<10000x128xf32>
    %get3A_53 = arith.constant 0 : index
    %get3A_54 = arith.constant 0 : index
    %get3A_55 = vector.load %arg8[%get3A_53, %get3A_54] : memref<1x128xf32, #tpu.memory_space<vmem>>, vector<1x128xf32>
    %add3A_56 = vector.broadcast %get3A_55 : vector<1x128xf32> to vector<10000x128xf32>
    %add3A_57 = arith.addf %mul3A_52, %add3A_56 : vector<10000x128xf32>
    %logistic3A = arith.negf %add3A_57 : vector<10000x128xf32>
    %logistic3A_58 = math.exp %logistic3A : vector<10000x128xf32>
    %logistic3A_59 = arith.constant 1.000000e+00 : f32
    %logistic3A_60 = vector.broadcast %logistic3A_59 : f32 to vector<10000x128xf32>
    %logistic3A_61 = arith.addf %logistic3A_60, %logistic3A_58 : vector<10000x128xf32>
    %logistic3A_62 = arith.divf %logistic3A_60, %logistic3A_61 : vector<10000x128xf32>
    %mul3A_63 = arith.mulf %add3A_57, %logistic3A_62 : vector<10000x128xf32>
    %add3A_64 = arith.addf %mul3A_63, %get3A_1 : vector<10000x128xf32>
    %get3A_65 = arith.constant 0 : index
    %get3A_66 = arith.constant 0 : index
    %get3A_67 = vector.load %arg9[%get3A_65, %get3A_66] : memref<128x128xf32, #tpu.memory_space<vmem>>, vector<128x128xf32>
    %dot_general3A_68 = arith.constant dense<0.000000e+00> : vector<10000x128xf32>
    %dot_general3A_69 = tpu.matmul %add3A_64, %get3A_67, %dot_general3A_68 {dimension_numbers = #tpu.dot_dimension_numbers<[1], [0], [0], [1], [0, 0, 1, 1], [], []>, transpose_lhs_hint = false} : vector<10000x128xf32>, vector<128x128xf32>, vector<10000x128xf32> -> vector<10000x128xf32>
    %get3A_70 = arith.constant 0 : index
    %get3A_71 = arith.constant 0 : index
    %get3A_72 = vector.load %arg10[%get3A_70, %get3A_71] : memref<1x128xf32, #tpu.memory_space<vmem>>, vector<1x128xf32>
    %add3A_73 = vector.broadcast %get3A_72 : vector<1x128xf32> to vector<10000x128xf32>
    %add3A_74 = arith.addf %dot_general3A_69, %add3A_73 : vector<10000x128xf32>
    %swap3A = arith.constant 0 : index
    %swap3A_75 = arith.constant 0 : index
    %swap3A_76 = vector.load %arg11[%swap3A, %swap3A_75] : memref<10000x128xf32, #tpu.memory_space<vmem>>, vector<10000x128xf32>
    tpu.vector_store %arg11[%swap3A, %swap3A_75], %add3A_74 {strides = array<i32>} : memref<10000x128xf32, #tpu.memory_space<vmem>>, vector<10000x128xf32>,
    return
  }
}

</mosaic_0001>

<sc_bundles>
// kernel: kernel.7.cloned.1.call-start
scs
__scs_entry_jumppad:
0x0: {  	(pc) =	sbr.rel $0x88, $3  }
0x1: {  	(tag) =	ssettag $0x0;
	lr =	simm.s32 $0x1  }
0x2: {  	[smem:$0x3F92] =	sst lr;
	_ =	strace $0xD0000000  }
0x3: {  	_ = 	snop  }
0x4: {  	_ = 	snop  }
0x5: {  	_ = 	snop  }
0x6: {  	_ = 	snop  }
0x7: {  	_ = 	snop  }
__scs_overlays_trampoline_lowered:
0x8: {  	[smem:$0x3FA1] =	sst s0  }
0x9: {  	[smem:$0x3FA2] =	sst s1  }
0xa: {  	[smem:$0x3FA3] =	sst s2  }
0xb: {  	[smem:$0x3FA4] =	sst s3  }
0xc: {  	[smem:$0x3FA5] =	sst s4  }
0xd: {  	[smem:$0x3FA6] =	sst s5  }
0xe: {  	[smem:$0x3FA7] =	sst s6  }
0xf: {  	[smem:$0x3FA8] =	sst s7  }
0x10: {  	[smem:$0x3FA9] =	sst s8  }
0x11: {  	[smem:$0x3FAA] =	sst s9;
	s0 =	simm.s32 @!p0 $0x0  }
0x12: {  	s1 =	sld [smem:$0x3F90];
	s0 =	simm.s32 @p0 $0x1  }
0x13: {  	[smem:$0x3FAB] =	sst s0;
	s0 =	simm.s32 @!p1 $0x0  }
0x14: {  	s2 =	sld [smem:$0x3F8F];
	s0 =	simm.s32 @p1 $0x1  }
0x15: {  	[smem:$0x3FAC] =	sst s0;
	s0 =	simm.s32 @!p2 $0x0  }
0x16: {  	s3 =	sld [smem:$0x3FDB];
	s0 =	simm.s32 @p2 $0x1  }
0x17: {  	s4 =	simm.s32 $0x1BF5;
	[smem:$0x3FAE] =	sst s0  }
0x18: {  	s0 =	sld [smem:$0x3F91];
	_ =	swait.ge [sflag:s4], $0x0  }
0x19: {  	s7 =	sld [smem:$0x3F92]  }
0x1a: {  	s8 =	sadd.s32 $0xFFFFE003, lr  }
0x1b: {  	s9 =	sadd.s32 $0xFFFFFEF7, lr;
	s5 =	simm.s32 $0xFFFFFFFF;
	p2 =	slt.u32 s8, $0xFFFFF086  }
0x1c: {  	p1 =	slt.u32 s9, $0xF7A;
	s5 =	simm.s32 @!p2 $0x0  }
0x1d: {  	s5 =	simm.s32 @p1 $0x1;
	p0 =	seq.s32 s7, s2  }
0x1e: {  	s7 =	smul.u32 @!p0 $0xF7A, s2;
	p2 =	seq.s32 @!p0 s5, $0x0  }
0x1f: {  	s9 =	smul.u32 $0xF7A, s1;
	s8 =	simm.s32 @!p0 $0x1BF5;
	p2 =	por !p2, p0  }
0x20: {  	[sflag:s8] =	ssyncset.s32 @!p0 $0xFFFFF086;
	s6 =	sadd.s32 @!p0 s3, s7;
	s7 =	simm.s32 @!p0 $0x108  }
0x21: {  	s3 =	sadd.s32 s3, s9;
	s6 =	sadd.s32 @!p0 $0x88, s6;
	s7 =	simm.s32 @p2 $0x1082  }
0x22: {  	[simem:s7], [sflag:s8] =	dma.local @!p0 [hbm:s6], $0xF7A  }
0x23: {  	s9 =	sor.u32 $0xD0000000, s2;
	s6 =	simm.s32 $0x108;
	_ =	swait.ge @!p0 [sflag:s8], $0x0  }
0x24: {  	s3 =	sadd.s32 $0x88, s3;
	s6 =	simm.s32 @!p1 $0x1082;
	[sflag:s4] =	ssyncset.s32 $0xFFFFF086  }
0x25: {  	[simem:s6], [sflag:s4] =	dma.local [hbm:s3], $0xF7A  }
0x26: {  	[smem:$0x3F92] =	sst s1;
	(tag) =	ssettag s2;
	_ =	strace s9  }
0x27: {  	s1 =	sld [smem:$0x3FA2]  }
0x28: {  	s2 =	sld [smem:$0x3FA3]  }
0x29: {  	s4 =	sld [smem:$0x3FA5]  }
0x2a: {  	p0 =	seq.s32 s5, $0x0;
	s5 =	sld [smem:$0x3FA6]  }
0x2b: {  	s6 =	sld [smem:$0x3FA7]  }
0x2c: {  	s7 =	sld [smem:$0x3FA8]  }
0x2d: {  	s3 =	simm.s32 $0x108;
	s8 =	sld [smem:$0x3FA9]  }
0x2e: {  	s3 =	simm.s32 @!p0 $0x1082;
	s9 =	sld [smem:$0x3FAA]  }
0x2f: {  	lr =	sadd.s32 s0, s3;
	s0 =	sld [smem:$0x3FA1]  }
0x30: {  	s3 =	sld [smem:$0x3FA4]  }
0x31: {  	[smem:$0x3FAD] =	sst s10  }
0x32: {  	s10 =	sld [smem:$0x3FAB];
	_ =	sdelay $0x3  }
0x33: {  	p0 =	seq.s32 s10, $0x1;
	s10 =	sld [smem:$0x3FAD];
	_ =	sdelay $0x3  }
0x34: {  	[smem:$0x3FAD] =	sst s10  }
0x35: {  	s10 =	sld [smem:$0x3FAC];
	_ =	sdelay $0x3  }
0x36: {  	p1 =	seq.s32 s10, $0x1;
	s10 =	sld [smem:$0x3FAD];
	_ =	sdelay $0x3  }
0x37: {  	[smem:$0x3FAD] =	sst s10  }
0x38: {  	s10 =	sld [smem:$0x3FAE]  }
0x39: {  	_ = 	snop;
	(pc) =	sbr.ind lr, $3  }
0x3a: {  	_ = 	snop  }
0x3b: {  	_ = 	snop  }
0x3c: {  	p2 =	seq.s32 s10, $0x1;
	s10 =	sld [smem:$0x3FAD]  }
0x3d: {  	_ =	shalt  }
0x3e: {  	_ =	shalt  }
0x3f: {  	_ =	shalt  }
0x40: {  	_ =	shalt  }
0x41: {  	_ =	shalt  }
0x42: {  	_ =	shalt  }
0x43: {  	_ =	shalt  }
0x44: {  	_ =	shalt  }
0x45: {  	_ =	shalt  }
0x46: {  	_ =	shalt  }
0x47: {  	_ =	shalt  }
0x48: {  	_ =	shalt  }
0x49: {  	_ =	shalt  }
0x4a: {  	_ =	shalt  }
0x4b: {  	_ =	shalt  }
0x4c: {  	_ =	shalt  }
0x4d: {  	_ =	shalt  }
0x4e: {  	_ =	shalt  }
0x4f: {  	_ =	shalt  }
0x50: {  	_ =	shalt  }
0x51: {  	_ =	shalt  }
0x52: {  	_ =	shalt  }
0x53: {  	_ =	shalt  }
0x54: {  	_ =	shalt  }
0x55: {  	_ =	shalt  }
0x56: {  	_ =	shalt  }
0x57: {  	_ =	shalt  }
0x58: {  	_ =	shalt  }
0x59: {  	_ =	shalt  }
0x5a: {  	_ =	shalt  }
0x5b: {  	_ =	shalt  }
0x5c: {  	_ =	shalt  }
0x5d: {  	_ =	shalt  }
0x5e: {  	_ =	shalt  }
0x5f: {  	_ =	shalt  }
0x60: {  	_ =	shalt  }
0x61: {  	_ =	shalt  }
0x62: {  	_ =	shalt  }
0x63: {  	_ =	shalt  }
0x64: {  	_ =	shalt  }
0x65: {  	_ =	shalt  }
0x66: {  	_ =	shalt  }
0x67: {  	_ =	shalt  }
0x68: {  	_ =	shalt  }
0x69: {  	_ =	shalt  }
0x6a: {  	_ =	shalt  }
0x6b: {  	_ =	shalt  }
0x6c: {  	_ =	shalt  }
0x6d: {  	_ =	shalt  }
0x6e: {  	_ =	shalt  }
0x6f: {  	_ =	shalt  }
0x70: {  	_ =	shalt  }
0x71: {  	_ =	shalt  }
0x72: {  	_ =	shalt  }
0x73: {  	_ =	shalt  }
0x74: {  	_ =	shalt  }
0x75: {  	_ =	shalt  }
0x76: {  	_ =	shalt  }
0x77: {  	_ =	shalt  }
0x78: {  	_ =	shalt  }
0x79: {  	_ =	shalt  }
0x7a: {  	_ =	shalt  }
0x7b: {  	_ =	shalt  }
0x7c: {  	_ =	shalt  }
0x7d: {  	_ =	shalt  }
0x7e: {  	_ =	shalt  }
0x7f: {  	_ =	shalt  }
0x80: {  	_ =	shalt  }
0x81: {  	_ =	shalt  }
0x82: {  	_ =	shalt  }
0x83: {  	_ =	shalt  }
0x84: {  	_ =	shalt  }
0x85: {  	_ =	shalt  }
0x86: {  	_ =	shalt  }
0x87: {  	_ =	shalt  }
.Lfunc_end0:
.L_simem_size_0:
called_computation_lowered:
.L_overlay_start_0:
0x88: {  	s2 =	sld [smem:$0x3FD9]  }
0x89: {  	s3 =	sld [smem:$0x3FFE];
	_ =	sdelay $0x1  }
0x8a: {  	s1 =	srdreg.scid  }
0x8b: {  	s0 =	sand.u32 $0x1, s1  }
0x8c: {  	s14 =	sshll.u32 s0, $0xA;
	s2 =	sadd.s32 s3, s2  }
0x8d: {  	s2 =	sadd.s32 s2, s14  }
0x8e: {  	[smem:$0x3FB9] =	sst s2  }
0x8f: {  	_ = 	snop  }
0x90: {  	s2 =	sld [smem:$0x3FD0];
	_ =	sdelay $0x2  }
0x91: {  	s15 =	simm.s32 $0xA;
	s4 =	simm.s32 $0x10  }
0x92: {  	[smem:s4], [sflag:s15] =	dma.local [hbm:s2], $0x1  }
0x93: {  	_ =	swait.eq [sflag:s15], $0x1  }
0x94: {  	[sflag:s15] =	ssyncset.done $0x0  }
0x95: {  	[sflag:s15] =	ssyncadd.s32 $0xFFFFFFFF  }
0x96: {  	s16 =	sld [smem:$0x10];
	(tm) =	ssettm $0x1  }
0x97: {  	s17 =	sld [smem:$0x3FFB];
	_ =	sdelay $0x3  }
0x98: {  	_ =	strace s17  }
0x99: {  	s3 =	sld [smem:$0x3FFC];
	_ =	sdelay $0x3  }
0x9a: {  	_ =	strace s3  }
0x9b: {  	s3 =	sld [smem:$0x3FFD];
	_ =	sdelay $0x3  }
0x9c: {  	_ =	strace s3  }
0x9d: {  	_ =	strace $0x8FFFFFFF  }
0x9e: {  	s18 =	sld [smem:$0x3FDB];
	_ =	sdelay $0x1  }
0x9f: {  	s19 =	simm.s32 $_scs_section_size  }
0xa0: {  	s5 =	simm.s32 $_size__tile_overlayer_lowered;
	s6 =	simm.s32 $_tile_overlayer_lowered  }
0xa1: {  	s22 =	simm.s32 $0x1BFF;
	s21 =	sshll.u32 s6, $0x1;
	s3 =	sadd.s32 s19, s18  }
0xa2: {  	s7 =	simm.s32 $0x0;
	s20 =	sshll.u32 s5, $0x1;
	s5 =	sadd.s32 s21, s3  }
0xa3: {  	[timem:s7], [sflag:s22] =	dma.local [hbm:s5], s20  }
0xa4: {  	_ =	swait.ge [sflag:s22], s20  }
0xa5: {  	s4 =	ssub.s32 $0x0, s20;
	[sflag:s22] =	ssyncset.done $0x0  }
0xa6: {  	[sflag:s22] =	ssyncadd.s32 s4;
	_ =	sdelay $0x1  }
0xa7: {  	s23 =	simm.s32 $0x1B8B  }
0xa8: {  	_ =	swait.ge [sflag:s23], $0x1  }
0xa9: {  	[sflag:s23] =	ssyncset.done $0x0  }
0xaa: {  	s25 =	simm.s32 $0x1B8E;
	s24 =	sld [smem:$0x3FFE];
	[sflag:s23] =	ssyncadd.s32 $0xFFFFFFFF  }
0xab: {  	s26 =	simm.s32 $execute0_lowered;
	[smem:$0x3FD2] =	sst s25  }
0xac: {  	s5 =	sshll.u32 s26, $0x1;
	_ =	strace $0x80000046;
	[dreg:$0x1] =	wrdreg $0xFFFFFFFF  }
0xad: {  	s28 =	simm.s32 $_size_execute0_lowered;
	s3 =	sadd.s32 s3, s5;
	[dreg:$0x0] =	wrdreg $0x0  }
0xae: {  	s5 =	sshll.u32 s28, $0x1;
	[dreg:$0x2] =	wrdreg s3  }
0xaf: {  	[dreg:$0x3] =	wrdreg s5  }
0xb0: {  	[dreg:$0x4] =	wrdreg $0xC0  }
0xb1: {  	_ =	task [dreg:s7], $0x5FFFF  }
0xb2: {  	[dreg:$0x1] =	wrdreg $0xFFFFFFFF  }
0xb3: {  	[dreg:$0x0] =	wrdreg $0x60  }
0xb4: {  	[dreg:$0x2] =	wrdreg s24  }
0xb5: {  	[dreg:$0x3] =	wrdreg s16  }
0xb6: {  	[dreg:$0x4] =	wrdreg $0x42A00  }
0xb7: {  	[dreg:$0x5] =	wrdreg $0x9  }
0xb8: {  	_ =	task.clear_ibuf [dreg:s7], $0x6FFFF;
	_ =	strace $0x90000046  }
0xb9: {  	s29 =	simm.s32 $0x9;
	_ =	strace $0x80000048  }
0xba: {  	_ =	swait.ge [sflag:s29], $0x1  }
0xbb: {  	[sflag:s29] =	ssyncadd.s32 $0xFFFFFFFF  }
0xbc: {  	_ =	strace $0x90000048  }
0xbd: {  	_ =	sfence  }
0xbe: {  	s30 =	sld [smem:$0x0];
	_ =	sdelay $0x2  }
0xbf: {  	s31 =	sshll.u32 s1, $0xD;
	s1 =	sshrl.u32 s1, $0x2  }
0xc0: {  	s3 =	sand.u32 $0x4000, s31;
	s1 =	sadd.s32 s1, s30  }
0xc1: {  	s0 =	sor.u32 s3, s0;
	s1 =	sshll.u32 s1, $0x11  }
0xc2: {  	s0 =	sor.u32 s1, s0  }
0xc3: {  	s0 =	sadd.s32 $0x8F2B, s0  }
0xc4: {  	[sflag:s0] =	ssyncadd.remote.s32 $0x1  }
0xc5: {  	_ =	sfence.sel $0xFFFF  }
0xc6: {  	[dreg:$0x0] =	wrdreg $0xFFFFFFFF;
	(pc) =	sbr.abs _section_cstart, $3  }
0xc7: {  	[dreg:$0x1] =	wrdreg $0xFFFFFFFF  }
0xc8: {  	_ =	task.clear_ibuf [dreg:s7], $0x2FFFF;
	_ =	strace $0x9FFFFFFF  }
0xc9: {  	(tm) =	ssettm $0x7FFFFFFF  }
tec
execute0_lowered:
.L_overlay_start_1:
0x0: {  	(tag) =	ssettag $0x1  }
0x1: {  	s0 =	rddreg [dreg:$0x0]  }
0x2: {  	s1 =	rddreg [dreg:$0x1]  }
0x3: {  	s2 =	rddreg [dreg:$0x2]  }
0x4: {  	s3 =	simm.s32 $0x0;
	s7 =	srdreg.scid;
	s9 =	stileid.u32  }
0x5: {  	s19 =	simm.f32 $1.000000000e+00;
	s28 =	simm.s32 $0x2200;
	s29 =	simm.s32 $0x4200  }
0x6: {  	s30 =	simm.s32 $0x180;
	s17 =	simm.s32 $0x4;
	[smem:$0x7FF] =	sst s3  }
0x7: {  	s4 =	sadd.s32 $0x2E00, s0;
	s5 =	sadd.s32 $0x7E00, s0;
	s6 =	sadd.s32 $0xCE00, s0  }
0x8: {  	s7 =	sand.u32 $0x1, s7;
	s10 =	sshll.u32 s9, $0x1;
	s8 =	sadd.s32 $0xA9200, s0  }
0x9: {  	p0 =	slt.u32 s9, $0x2;
	_ =	strace $0x80000047;
	[dreg:$0x4] =	wrdreg s8  }
0xa: {  	s8 =	sadd.s32 $0xAA400, s0;
	s11 =	sor.u32 s7, s10;
	s12 =	smul.u32 $0x4E2, s7  }
0xb: {  	s7 =	ssub.s32 $0x2, s7;
	s19 =	simm.s32 @!p0 $0x0;
	p0 =	sne.s32 s9, $0x0  }
0xc: {  	s10 =	sshll.u32 s11, $0x2;
	s21 =	sshrl.u32 s7, $0x1;
	s13 =	sshll.u32 s11, $0x4  }
0xd: {  	s23 =	sshll.u32 s11, $0x8;
	s14 =	smin.u32 s11, $0x3;
	s20 =	sor.u32 $0x20, s11  }
0xe: {  	s18 =	sshrl.u32 @!p0 s2, $0x3;
	v0 =	vmov s19;
	s19 =	simm.s32 $0x0;
	s16 =	sadd.s32 s10, s0  }
0xf: {  	s0 =	sadd.s32 s12, s0;
	s7 =	ssub.s32 s7, s21;
	s22 =	sadd.s32 s1, s13  }
0x10: {  	s10 =	sadd.s32 $0x9C40, s1;
	s24 =	sadd.s32 s6, s23;
	[dreg:$0xc] =	wrdreg s18  }
0x11: {  	s15 =	sadd.s32 s8, s23;
	[dreg:$0x5] =	wrdreg s22;
	s13 =	sadd.s32 s13, s10  }
0x12: {  	[dreg:$0x7] =	wrdreg s24;
	s26 =	sadd.s32 $0xAA200, s16;
	s0 =	sadd.s32 $0xA9800, s0  }
0x13: {  	s31 =	smax.u32 s7, $0x1;
	s22 =	simm.s32 $0x100;
	[dreg:$0x6] =	wrdreg s13  }
0x14: {  	s24 =	simm.s32 $0x1;
	s7 =	simm.s32 $0x2;
	[dreg:$0x9] =	wrdreg s26  }
0x15: {  	s16 =	simm.s32 $0x7;
	s13 =	sor.u32 $0x9C0, s14;
	[dreg:$0xa] =	wrdreg s0  }
0x16: {  	s14 =	sor.u32 $0x40, s11;
	[dreg:$0xb] =	wrdreg s31;
	s25 =	sshll.u32 s13, $0x8  }
0x17: {  	s26 =	simm.s32 $0x1200;
	s0 =	simm.s32 $0x3;
	s12 =	sadd.s32 s8, s25  }
0x18: {  	v1 =	vimm.f32 $1.000000000e+00;
	s25 =	simm.s32 $0x80;
	[dreg:$0x8] =	wrdreg s12;
	s12 =	simm.s32 $0x3200  }
.LBB2_1:
0x19: {  	[dreg:$0xd] =	wrdreg s19  }
0x1a: {  	s9 =	simm.s32 @!p0 $0x1C09;
	s11 =	rddreg [dreg:$0x4]  }
0x1b: {  	[spmem:s18], [sflag:s9] =	dma.local @!p0 [hbm:s11], $0x4E2  }
0x1c: {  	s9 =	simm.s32 @!p0 $0x9  }
0x1d: {  	_ =	swait.ge @!p0 [sflag:s9], $0x4E2  }
0x1e: {  	[sflag:s9] =	ssyncset.done @!p0 $0x0  }
0x1f: {  	[sflag:s9] =	ssyncadd.s32 @!p0 $0xFFFFFB1E  }
0x20: {  	[tilespmem:$0x4200] =	vst v1  }
0x21: {  	[tilespmem:$0x4210] =	vst v1  }
0x22: {  	[tilespmem:$0x4220] =	vst v1  }
0x23: {  	[tilespmem:$0x4230] =	vst v1  }
0x24: {  	[tilespmem:$0x4240] =	vst v1  }
0x25: {  	[tilespmem:$0x4250] =	vst v1  }
0x26: {  	[tilespmem:$0x4260] =	vst v1  }
0x27: {  	[tilespmem:$0x4270] =	vst v1  }
0x28: {  	[bflag:$0x0] =	sbarrier.arrive $0xFFFF  }
0x29: {  	s19 =	rddreg [dreg:$0x5]  }
0x2a: {  	[tilespmem:s3], [sflag:$0x1] =	stream.linear.gather [hbm4b:s19+s3], $0x80, $0x38;
	[tilespmem:$0x4518] =	vst v63  }
0x2b: {  	s21 =	rddreg [dreg:$0x6]  }
0x2c: {  	[tilespmem:s22], [sflag:$0x1] =	stream.linear.gather [hbm4b:s21+s3], $0x80, $0x38;
	[tilespmem:$0x4518] =	vst v63  }
0x2d: {  	s31 =	simm.s32 $0x200;
	s23 =	rddreg [dreg:$0x7];
	s19 =	simm.s32 $0x0  }
0x2e: {  	v2 =	vimm.f32 $0.0e+00;
	v3 =	vimm.f32 $0.0e+00;
	[tilespmem:s31], [sflag:$0x1] =	stream.linear.gather [hbm4b:s23+s3], $0x800, $0x38;
	[tilespmem:$0x4518] =	vst v63  }
.LBB2_2:
0x2f: {  	_ =	swait.ge [sflag:s24], $0x80  }
0x30: {  	[sflag:s24] =	ssyncset.done $0x0  }
0x31: {  	[sflag:s24] =	ssyncadd.s32 $0xFFFFFF80  }
0x32: {  	_ =	swait.ge [sflag:s24], $0x80  }
0x33: {  	[sflag:s24] =	ssyncset.done $0x0  }
0x34: {  	[sflag:s24] =	ssyncadd.s32 $0xFFFFFF80  }
0x35: {  	_ =	swait.ge [sflag:s24], $0x800  }
0x36: {  	[sflag:s24] =	ssyncset.done $0x0  }
0x37: {  	[sflag:s24] =	ssyncadd.s32 $0xFFFFF800  }
0x38: {  	[tilespmem:s26], [sflag:$0x3] =	stream.indirect.gather [hbm4b:s4+s25], $0x10, s3, s25, $0xb8;
	[tilespmem:$0x4518] =	vst v63  }
0x39: {  	p1 =	seq.s32 s19, $0x0  }
0x3a: {  	[tilespmem:s28], [sflag:$0x3] =	stream.indirect.gather [hbm4b:s5+s25], $0x10, s22, s25, $0xb8;
	[tilespmem:$0x4518] =	vst v63  }
0x3b: {  	s9 =	simm.s32 @!p1 $0x6  }
0x3c: {  	[spmem:s2] =	stream.indirect.scatter.add.f32 [tilespmem:s29], [sflag:$0x7], $0x1, s22, s25, $0xb8;
	[tilespmem:$0x4518] =	vst v63  }
0x3d: {  	_ =	swait.ge @!p1 [sflag:s9], $0x800  }
0x3e: {  	[sflag:s9] =	ssyncset.done @!p1 $0x0  }
0x3f: {  	s31 =	sshll.u32 s19, $0x6;
	[sflag:s9] =	ssyncadd.s32 @!p1 $0xFFFFF800;
	s9 =	simm.s32 @!p1 $0x8  }
0x40: {  	s11 =	sor.u32 s20, s31;
	_ =	swait.ge @!p1 [sflag:s9], $0x80  }
0x41: {  	s21 =	sshll.u32 s11, $0x4;
	[sflag:s9] =	ssyncset.done @!p1 $0x0  }
0x42: {  	s18 =	sadd.s32 s1, s21;
	[sflag:s9] =	ssyncadd.s32 @!p1 $0xFFFFFF80  }
0x43: {  	[tilespmem:s25], [sflag:$0x2] =	stream.linear.gather [hbm4b:s18+s3], $0x80, $0x38;
	[tilespmem:$0x4518] =	vst v63  }
0x44: {  	s23 =	sadd.s32 s21, s10;
	s21 =	sshll.u32 s11, $0x8  }
0x45: {  	[tilespmem:s30], [sflag:$0x2] =	stream.linear.gather [hbm4b:s23+s3], $0x80, $0x38;
	[tilespmem:$0x4518] =	vst v63  }
0x46: {  	s18 =	sadd.s32 s6, s21;
	s23 =	simm.s32 $0xA00  }
0x47: {  	[tilespmem:s23], [sflag:$0x2] =	stream.linear.gather [hbm4b:s18+s3], $0x800, $0x38;
	[tilespmem:$0x4518] =	vst v63  }
0x48: {  	_ =	swait.ge [sflag:s0], $0x800  }
0x49: {  	[sflag:s0] =	ssyncset.done $0x0  }
0x4a: {  	[sflag:s0] =	ssyncadd.s32 $0xFFFFF800  }
0x4b: {  	_ =	swait.ge [sflag:s0], $0x800  }
0x4c: {  	[sflag:s0] =	ssyncset.done $0x0  }
0x4d: {  	[sflag:s0] =	ssyncadd.s32 $0xFFFFF800  }
0x4e: {  	_ =	swait.ge [sflag:s7], $0x80  }
0x4f: {  	[sflag:s7] =	ssyncset.done $0x0  }
0x50: {  	[sflag:s7] =	ssyncadd.s32 $0xFFFFFF80  }
0x51: {  	_ =	swait.ge [sflag:s7], $0x80  }
0x52: {  	[sflag:s7] =	ssyncset.done $0x0  }
0x53: {  	[sflag:s7] =	ssyncadd.s32 $0xFFFFFF80  }
0x54: {  	_ =	swait.ge [sflag:s7], $0x800  }
0x55: {  	[sflag:s7] =	ssyncset.done $0x0  }
0x56: {  	s18 =	simm.s32 $0x1A00;
	[sflag:s7] =	ssyncadd.s32 $0xFFFFF800  }
0x57: {  	[tilespmem:s18], [sflag:$0x4] =	stream.indirect.gather [hbm4b:s4+s25], $0x10, s25, s25, $0xb8;
	[tilespmem:$0x4518] =	vst v63  }
0x58: {  	s23 =	simm.s32 $0x2A00  }
0x59: {  	[tilespmem:s23], [sflag:$0x4] =	stream.indirect.gather [hbm4b:s5+s25], $0x10, s30, s25, $0xb8;
	[tilespmem:$0x4518] =	vst v63  }
0x5a: {  	s9 =	simm.s32 @!p1 $0x5  }
0x5b: {  	[spmem:s2] =	stream.indirect.scatter.add.f32 [tilespmem:s29], [sflag:$0x8], $0x1, s30, s25, $0xb8;
	[tilespmem:$0x4518] =	vst v63  }
0x5c: {  	_ =	swait.ge @!p1 [sflag:s9], $0x800  }
0x5d: {  	[sflag:s9] =	ssyncset.done @!p1 $0x0  }
0x5e: {  	[sflag:s9] =	ssyncadd.s32 @!p1 $0xFFFFF800;
	s9 =	simm.s32 $0x0  }
0x5f: {  	v4 =	vld [tilespmem:s9+$0x200]  }
0x60: {  	v7 =	vld [tilespmem:s9+$0x1200]  }
0x61: {  	v8 =	vld [tilespmem:s9+$0x2200]  }
0x62: {  	v9 =	vld [tilespmem:s9+$0x1210]  }
0x63: {  	v11 =	vld [tilespmem:s9+$0x2210]  }
0x64: {  	s11 =	simm.s32 $0x20;
	v10 =	vld [tilespmem:s9+$0x210]  }
0x65: {  	v5 =	vld [tilespmem:s11+$0x200]  }
0x66: {  	v6 =	vld [tilespmem:s11+$0x1200];
	v12 =	vadd.f32 v8, v7  }
0x67: {  	v8 =	vld [tilespmem:s11+$0x2200]  }
0x68: {  	v7 =	vld [tilespmem:s11+$0x1210];
	v4 =	vadd.f32 v4, v12  }
0x69: {  	s23 =	simm.s32 $0x100;
	v11 =	vadd.f32 v11, v9;
	v9 =	vld [tilespmem:s11+$0x2210]  }
.LBB2_3:
0x6a: {  	s18 =	sshra.s32 s23, $0x2;
	v12 =	vld [tilespmem:s11+$0x210];
	[tilespmem:s9+$0x3200] =	vst v4;
	v13 =	vmov v5;
	p1 =	sne.s32 s23, $0x1F80  }
.Ltmp0:
0x6b: {  	v10 =	vadd.f32 v10, v11;
	v11 =	vmul.f32 v4, v4;
	v5 =	vld [tilespmem:s18+$0x200];
	(pc) =	sbr.rel @p1 .LBB2_3-.Ltmp0, $4  }
0x6c: {  	v14 =	vadd.f32 v8, v6;
	v6 =	vld [tilespmem:s18+$0x1200]  }
0x6d: {  	s23 =	sadd.s32 $0x80, s23;
	v3 =	vadd.f32 v4, v3;
	v2 =	vadd.f32 v11, v2;
	v15 =	vmul.f32 v10, v10;
	v8 =	vld [tilespmem:s18+$0x2200];
	[tilespmem:s9+$0x3210] =	vst v10;
	s9 =	smov.u32 s11  }
0x6e: {  	s11 =	smov.u32 s18;
	v4 =	vadd.f32 v13, v14;
	v11 =	vadd.f32 v9, v7;
	v7 =	vld [tilespmem:s18+$0x1210]  }
0x6f: {  	v3 =	vadd.f32 v10, v3;
	v2 =	vadd.f32 v15, v2;
	v9 =	vld [tilespmem:s11+$0x2210];
	v10 =	vmov v12  }
0x70: {  	_ = 	snop  }
0x71: {  	v12 =	vld [tilespmem:s11+$0x210];
	_ =	sdelay $0x1  }
0x72: {  	v6 =	vadd.f32 v8, v6  }
0x73: {  	v8 =	vadd.f32 v10, v11;
	v7 =	vadd.f32 v9, v7  }
0x74: {  	[tilespmem:s9+$0x3200] =	vst v4;
	v5 =	vadd.f32 v5, v6  }
0x75: {  	[tilespmem:s9+$0x3210] =	vst v8;
	v6 =	vadd.f32 v12, v7  }
0x76: {  	s18 =	sshll.u32 s19, $0xE;
	[tilespmem:s11+$0x3200] =	vst v5  }
0x77: {  	s9 =	sadd.s32 s18, s15;
	[tilespmem:s11+$0x3210] =	vst v6;
	s11 =	simm.s32 $0x0  }
0x78: {  	[hbm4b:s9+s11] =	stream.linear.scatter [tilespmem:s12], [sflag:$0x5], $0x800, $0x38;
	[tilespmem:$0x4518] =	vst v63  }
0x79: {  	p1 =	seq.s32 s19, $0x26;
	s9 =	sadd.s32 s14, s31  }
0x7a: {  	_ =	swait.ge [sflag:s16], $0x80;
	s9 =	smov.u32 @p1 s13  }
0x7b: {  	[sflag:s16] =	ssyncset.done $0x0;
	s18 =	sshll.u32 s9, $0x4  }
0x7c: {  	s9 =	sshll.u32 s9, $0x8;
	[sflag:s16] =	ssyncadd.s32 $0xFFFFFF80;
	s23 =	sadd.s32 s1, s18  }
0x7d: {  	[tilespmem:s11], [sflag:$0x1] =	stream.linear.gather [hbm4b:s23+s11], $0x80, $0x38;
	[tilespmem:$0x4518] =	vst v63  }
0x7e: {  	s18 =	sadd.s32 s18, s10;
	s9 =	sand.u32 $0x1FFFFF00, s9  }
0x7f: {  	[tilespmem:s22], [sflag:$0x1] =	stream.linear.gather [hbm4b:s18+s11], $0x80, $0x38;
	[tilespmem:$0x4518] =	vst v63  }
0x80: {  	s9 =	sadd.s32 s6, s9;
	s23 =	simm.s32 $0x200  }
0x81: {  	[tilespmem:s23], [sflag:$0x1] =	stream.linear.gather [hbm4b:s9+s11], $0x800, $0x38;
	[tilespmem:$0x4518] =	vst v63  }
0x82: {  	_ =	swait.ge [sflag:s17], $0x800  }
0x83: {  	[sflag:s17] =	ssyncset.done $0x0  }
0x84: {  	[sflag:s17] =	ssyncadd.s32 $0xFFFFF800  }
0x85: {  	_ =	swait.ge [sflag:s17], $0x800  }
0x86: {  	[sflag:s17] =	ssyncset.done $0x0  }
0x87: {  	s31 =	simm.s32 $0x0;
	[sflag:s17] =	ssyncadd.s32 $0xFFFFF800  }
0x88: {  	v9 =	vld [tilespmem:s31+$0xA00]  }
0x89: {  	v7 =	vmul.f32 v4, v4;
	v11 =	vld [tilespmem:s31+$0x1A00]  }
0x8a: {  	v3 =	vadd.f32 v4, v3;
	v63 =	vld [tilespmem:s31+$0x2A00]  }
0x8b: {  	v4 =	vmul.f32 v8, v8;
	v2 =	vadd.f32 v7, v2;
	v13 =	vld [tilespmem:s31+$0x1A10]  }
0x8c: {  	v3 =	vadd.f32 v8, v3;
	v14 =	vld [tilespmem:s31+$0x2A10]  }
0x8d: {  	v7 =	vmul.f32 v5, v5;
	v4 =	vadd.f32 v4, v2;
	s9 =	simm.s32 $0x20;
	v10 =	vld [tilespmem:s31+$0xA10]  }
0x8e: {  	v8 =	vadd.f32 v5, v3;
	v2 =	vld [tilespmem:s9+$0xA00]  }
0x8f: {  	v4 =	vadd.f32 v7, v4;
	v7 =	vmul.f32 v6, v6;
	v3 =	vld [tilespmem:s9+$0x1A00];
	v11 =	vadd.f32 v63, v11  }
0x90: {  	v8 =	vadd.f32 v6, v8;
	v5 =	vld [tilespmem:s9+$0x2A00]  }
0x91: {  	v7 =	vadd.f32 v7, v4;
	v4 =	vld [tilespmem:s9+$0x1A10];
	v6 =	vadd.f32 v9, v11  }
0x92: {  	s11 =	simm.s32 $0x100;
	v11 =	vadd.f32 v14, v13;
	v9 =	vld [tilespmem:s9+$0x2A10]  }
.LBB2_5:
0x93: {  	s18 =	sshra.s32 s11, $0x2;
	v12 =	vld [tilespmem:s9+$0xA10];
	[tilespmem:s31+$0x3A00] =	vst v6;
	v13 =	vmov v2;
	p1 =	sne.s32 s11, $0x1F80  }
.Ltmp1:
0x94: {  	v10 =	vadd.f32 v10, v11;
	v11 =	vmul.f32 v6, v6;
	v2 =	vld [tilespmem:s18+$0xA00];
	(pc) =	sbr.rel @p1 .LBB2_5-.Ltmp1, $4  }
0x95: {  	v14 =	vadd.f32 v5, v3;
	v3 =	vld [tilespmem:s18+$0x1A00]  }
0x96: {  	s11 =	sadd.s32 $0x80, s11;
	v8 =	vadd.f32 v6, v8;
	v7 =	vadd.f32 v11, v7;
	v15 =	vmul.f32 v10, v10;
	v5 =	vld [tilespmem:s18+$0x2A00];
	[tilespmem:s31+$0x3A10] =	vst v10;
	s31 =	smov.u32 s9  }
0x97: {  	s9 =	smov.u32 s18;
	v6 =	vadd.f32 v13, v14;
	v11 =	vadd.f32 v9, v4;
	v4 =	vld [tilespmem:s18+$0x1A10]  }
0x98: {  	v8 =	vadd.f32 v10, v8;
	v7 =	vadd.f32 v15, v7;
	v9 =	vld [tilespmem:s9+$0x2A10];
	v10 =	vmov v12  }
0x99: {  	_ =	sdelay $0x1  }
0x9a: {  	v12 =	vld [tilespmem:s9+$0xA10]  }
0x9b: {  	v59 =	vmul.f32 v6, v6;
	v3 =	vadd.f32 v5, v3;
	v5 =	vadd.f32 v10, v11  }
0x9c: {  	v60 =	vadd.f32 v6, v8;
	v4 =	vadd.f32 v9, v4  }
0x9d: {  	s19 =	sadd.s32 $0x1, s19;
	v2 =	vadd.f32 v2, v3;
	v3 =	vadd.f32 v59, v7;
	v61 =	vmul.f32 v5, v5  }
0x9e: {  	p1 =	sne.s32 s19, $0x27;
	[tilespmem:s31+$0x3A10] =	vst v5;
	v5 =	vadd.f32 v5, v60  }
.Ltmp2:
0x9f: {  	v4 =	vadd.f32 v12, v4;
	v3 =	vadd.f32 v61, v3;
	v62 =	vmul.f32 v2, v2;
	(pc) =	sbr.rel @p1 .LBB2_2-.Ltmp2, $4  }
0xa0: {  	[tilespmem:s31+$0x3A00] =	vst v6  }
0xa1: {  	[tilespmem:s9+$0x3A00] =	vst v2;
	v2 =	vadd.f32 v2, v5;
	v5 =	vadd.f32 v62, v3;
	v63 =	vmul.f32 v4, v4  }
0xa2: {  	s11 =	simm.s32 $0x3A00;
	s31 =	sadd.s32 s8, s21;
	[tilespmem:s9+$0x3A10] =	vst v4  }
0xa3: {  	v3 =	vadd.f32 v4, v2;
	[hbm4b:s31+s3] =	stream.linear.scatter [tilespmem:s11], [sflag:$0x6], $0x800, $0x38;
	v2 =	vadd.f32 v63, v5;
	[tilespmem:$0x4518] =	vst v63  }
0xa4: {  	s9 =	simm.s32 $0x8  }
0xa5: {  	_ =	swait.ge [sflag:s9], $0x80  }
0xa6: {  	[sflag:s9] =	ssyncset.done $0x0  }
0xa7: {  	[sflag:s9] =	ssyncadd.s32 $0xFFFFFF80  }
0xa8: {  	[tilespmem:$0x4200] =	vst v0  }
0xa9: {  	[tilespmem:$0x4210] =	vst v0  }
0xaa: {  	[tilespmem:$0x4220] =	vst v0  }
0xab: {  	[tilespmem:$0x4230] =	vst v0  }
0xac: {  	[tilespmem:$0x4240] =	vst v0  }
0xad: {  	[tilespmem:$0x4250] =	vst v0  }
0xae: {  	[tilespmem:$0x4260] =	vst v0  }
0xaf: {  	[tilespmem:$0x4270] =	vst v0  }
0xb0: {  	_ =	swait.ge [sflag:s24], $0x80  }
0xb1: {  	[sflag:s24] =	ssyncset.done $0x0  }
0xb2: {  	[sflag:s24] =	ssyncadd.s32 $0xFFFFFF80  }
0xb3: {  	_ =	swait.ge [sflag:s24], $0x80  }
0xb4: {  	[sflag:s24] =	ssyncset.done $0x0  }
0xb5: {  	[sflag:s24] =	ssyncadd.s32 $0xFFFFFF80  }
0xb6: {  	_ =	swait.ge [sflag:s24], $0x800  }
0xb7: {  	[sflag:s24] =	ssyncset.done $0x0  }
0xb8: {  	s31 =	simm.s32 $0x0;
	[sflag:s24] =	ssyncadd.s32 $0xFFFFF800  }
0xb9: {  	[tilespmem:s26], [sflag:$0x3] =	stream.indirect.gather [hbm4b:s4+s25], $0x10, s31, s25, $0xb8;
	[tilespmem:$0x4518] =	vst v63  }
0xba: {  	_ = 	snop  }
0xbb: {  	[tilespmem:s28], [sflag:$0x3] =	stream.indirect.gather [hbm4b:s5+s25], $0x10, s22, s25, $0xb8;
	[tilespmem:$0x4518] =	vst v63  }
0xbc: {  	s19 =	simm.s32 $0x5  }
0xbd: {  	[spmem:s2] =	stream.indirect.scatter.add.f32 [tilespmem:s29], [sflag:$0x7], $0x1, s22, s25, $0xb8;
	[tilespmem:$0x4518] =	vst v63  }
0xbe: {  	_ =	swait.ge [sflag:s19], $0x800  }
0xbf: {  	[sflag:s19] =	ssyncset.done $0x0  }
0xc0: {  	[sflag:s19] =	ssyncadd.s32 $0xFFFFF800  }
0xc1: {  	_ =	swait.ge [sflag:s0], $0x800  }
0xc2: {  	[sflag:s0] =	ssyncset.done $0x0  }
0xc3: {  	[sflag:s0] =	ssyncadd.s32 $0xFFFFF800  }
0xc4: {  	_ =	swait.ge [sflag:s0], $0x800  }
0xc5: {  	[sflag:s0] =	ssyncset.done $0x0  }
0xc6: {  	s18 =	simm.s32 $0x0;
	[sflag:s0] =	ssyncadd.s32 $0xFFFFF800  }
0xc7: {  	v4 =	vld [tilespmem:s18+$0x1200]  }
0xc8: {  	v5 =	vld [tilespmem:s18+$0x2200];
	_ =	sdelay $0x1  }
0xc9: {  	v6 =	vld [tilespmem:s18+$0x200];
	_ =	sdelay $0x1  }
0xca: {  	s9 =	simm.s32 $0x10  }
0xcb: {  	v8 =	vld [tilespmem:s9+$0x2200];
	v4 =	vadd.f32 v5, v4  }
0xcc: {  	v5 =	vld [tilespmem:s9+$0x1200]  }
0xcd: {  	v4 =	vadd.f32 v6, v4  }
0xce: {  	v7 =	vld [tilespmem:s9+$0x200]  }
0xcf: {  	s11 =	simm.s32 $0x80;
	[tilespmem:s18+$0x3200] =	vst v4;
	v6 =	vmul.f32 v4, v0  }
.LBB2_8:
0xd0: {  	s18 =	sshra.s32 s11, $0x2;
	p1 =	sne.s32 s11, $0x1FC0  }
.Ltmp3:
0xd1: {  	s11 =	sadd.s32 $0x40, s11;
	v9 =	vadd.f32 v8, v5;
	v5 =	vld [tilespmem:s18+$0x1200];
	v3 =	vadd.f32 v6, v3;
	v6 =	vmul.f32 v6, v4;
	(pc) =	sbr.rel @p1 .LBB2_8-.Ltmp3, $4  }
0xd2: {  	v8 =	vld [tilespmem:s18+$0x2200]  }
0xd3: {  	v4 =	vadd.f32 v7, v9;
	v2 =	vadd.f32 v6, v2  }
0xd4: {  	v7 =	vld [tilespmem:s18+$0x200]  }
0xd5: {  	[tilespmem:s9+$0x3200] =	vst v4;
	v6 =	vmul.f32 v4, v0;
	s9 =	smov.u32 s18  }
0xd6: {  	_ = 	snop  }
0xd7: {  	v5 =	vadd.f32 v8, v5;
	_ =	sdelay $0x1  }
0xd8: {  	v5 =	vadd.f32 v7, v5;
	_ =	sdelay $0x1  }
0xd9: {  	s11 =	rddreg [dreg:$0x8];
	[tilespmem:s9+$0x3200] =	vst v5  }
0xda: {  	[hbm4b:s11+s3] =	stream.linear.scatter [tilespmem:s12], [sflag:$0x5], $0x800, $0x38;
	[tilespmem:$0x4518] =	vst v63  }
0xdb: {  	_ =	swait.ge [sflag:s19], $0x800  }
0xdc: {  	[sflag:s19] =	ssyncset.done $0x0  }
0xdd: {  	[sflag:s19] =	ssyncadd.s32 $0xFFFFF800  }
0xde: {  	_ =	swait.ge [sflag:s16], $0x80  }
0xdf: {  	v4 =	vmul.f32 v6, v4;
	v7 =	vmul.f32 v5, v0;
	[sflag:s16] =	ssyncset.done $0x0  }
0xe0: {  	s18 =	simm.s32 $0x6;
	v3 =	vadd.f32 v6, v3;
	[sflag:s16] =	ssyncadd.s32 $0xFFFFFF80  }
0xe1: {  	v2 =	vadd.f32 v4, v2;
	v63 =	vmul.f32 v7, v5;
	_ =	swait.ge [sflag:s18], $0x800  }
0xe2: {  	v3 =	vadd.f32 v7, v3;
	[sflag:s18] =	ssyncset.done $0x0  }
0xe3: {  	v2 =	vadd.f32 v63, v2;
	[sflag:s18] =	ssyncadd.s32 $0xFFFFF800  }
0xe4: {  	[tilespmem:$0x4280] =	vst v3  }
0xe5: {  	s21 =	simm.s32 $0x9;
	s11 =	simm.s32 $0x4280;
	s19 =	rddreg [dreg:$0x9];
	[tilespmem:$0x4290] =	vst v2  }
0xe6: {  	[hbm4b:s19+s3] =	stream.linear.scatter [tilespmem:s11], [sflag:$0x9], $0x20, $0x38;
	[tilespmem:$0x4518] =	vst v63  }
0xe7: {  	_ =	swait.ge [sflag:s21], $0x20  }
0xe8: {  	[sflag:s21] =	ssyncset.done $0x0  }
0xe9: {  	[sflag:s21] =	ssyncadd.s32 $0xFFFFFFE0  }
0xea: {  	[bflag:$0x0] =	sbarrier.arrive $0xFFFF  }
0xeb: {  	s11 =	rddreg [dreg:$0xa]  }
0xec: {  	s9 =	simm.s32 @!p0 $0x1C09;
	s18 =	rddreg [dreg:$0xc]  }
0xed: {  	[hbm:s11], [sflag:s9] =	dma.local @!p0 [spmem:s18], $0x4E2  }
0xee: {  	s9 =	simm.s32 @!p0 $0x9  }
0xef: {  	_ =	swait.ge @!p0 [sflag:s9], $0x4E2  }
0xf0: {  	s23 =	rddreg [dreg:$0xd]  }
0xf1: {  	s31 =	rddreg [dreg:$0xb];
	s19 =	sadd.s32 $0x1, s23  }
0xf2: {  	p1 =	sne.s32 s19, s31  }
.Ltmp4:
0xf3: {  	_ = 	snop;
	(pc) =	sbr.rel @p1 .LBB2_1-.Ltmp4, $3  }
0xf4: {  	_ =	sdelay $0x1  }
0xf5: {  	[sflag:s9] =	ssyncset.done @!p0 $0x0  }
0xf6: {  	[sflag:s9] =	ssyncadd.s32 @!p0 $0xFFFFFB1E  }
0xf7: {  	_ =	sfence.sel $0x180000  }
0xf8: {  	[bflag:$0x0] =	sbarrier.arrive $0xFFFF  }
0xf9: {  	_ =	strace $0x90000047  }
0xfa: {  	[bflag:$0x2] =	sbarrier.arrive $0xFFFF  }
0xfb: {  	s0 =	rddreg [dreg:$0x3]  }
0xfc: {  	s0 =	sadd.s32 @!p0 $0x100000, s0  }
0xfd: {  	[sflag:s0] =	ssyncadd.tile.s32 @!p0 $0x1;
	_ =	shalt  }
.Lfunc_end2:
_tile_overlayer_lowered:
.L_overlay_start_2:
0xfe: {  	(tag) =	ssettag $0x2  }
0xff: {  	s0 =	rddreg [dreg:$0x0];
	s2 =	stileid.u32  }
0x100: {  	s1 =	rddreg [dreg:$0x1];
	p0 =	sne.s32 s2, $0x0  }
0x101: {  	s3 =	rddreg [dreg:$0x2];
	[bflag:$0x3] =	sbarrier.arrive $0xFFFF;
	s2 =	simm.s32 @!p0 $0x1C09  }
0x102: {  	[timem:s3], [sflag:s2] =	dma.local @!p0 [hbm:s0], s1  }
0x103: {  	s0 =	simm.s32 @!p0 $0x9  }
0x104: {  	_ =	swait.ge @!p0 [sflag:s0], s1  }
0x105: {  	s1 =	ssub.s32 @!p0 $0x0, s1;
	[sflag:s0] =	ssyncset.done @!p0 $0x0  }
0x106: {  	[sflag:s0] =	ssyncadd.s32 @!p0 s1  }
0x107: {  	[bflag:$0x3] =	sbarrier.arrive $0xFFFF  }
0x108: {  	_ =	shalt  }

</sc_bundles>
